<compile_context>
chip_gen: v7x
topology: tpu7x:2x2x1
jax: 0.10.2.dev20260603
libtpu: 0.0.44.dev20260713+nightly
codegen_flags: <defaults>
</compile_context>

<pallas_src>
import functools

import jax
import jax.numpy as jnp
from jax import lax
from jax.experimental import pallas as pl
from jax.experimental.pallas import tpu as pltpu
from jax.experimental.pallas import tpu_sc as plsc

HIDDEN = 1024
N_PASSES = 3
LANES = 16
N_WORKERS = 32
TILE_ROWS = 32
TILE_ELEMS = TILE_ROWS * HIDDEN

TC_ROWS = 25600
TC_BLOCK_ROWS = 1024


def _col_params(angles, plane_i, plane_j):
    cos_a = jnp.cos(angles)
    sin_a = jnp.sin(angles)
    cols = jnp.arange(HIDDEN, dtype=jnp.int32)
    eq_i = cols[None, :, None] == plane_i[:, None, :]
    eq_j = cols[None, :, None] == plane_j[:, None, :]
    is_i = eq_i.any(-1)
    is_j = eq_j.any(-1)
    touched = is_i | is_j
    partner = ((eq_i * plane_j[:, None, :]).sum(-1, dtype=jnp.int32)
               + (eq_j * plane_i[:, None, :]).sum(-1, dtype=jnp.int32)
               + jnp.where(touched, 0, cols[None, :]))
    cosv = ((eq_i + eq_j) * cos_a[:, None, :]).sum(-1)
    ccos = jnp.where(touched, cosv, 1.0)
    csin = ((eq_j * sin_a[:, None, :]).sum(-1)
            - (eq_i * sin_a[:, None, :]).sum(-1))
    return partner.astype(jnp.int32), ccos, csin



def _sc_body(h_hbm, prt_hbm, ccos_hbm, csin_hbm, bias_hbm,
             out_hbm, prt_v, ccos_v, csin_v, bias_v, buf_a, buf_b):
    wid = lax.axis_index("s") * 2 + lax.axis_index("c")
    elems_per_worker = out_hbm.shape[0] // N_WORKERS
    n_tiles = elems_per_worker // TILE_ELEMS
    in_base = wid * elems_per_worker
    out_base = wid * elems_per_worker

    pltpu.sync_copy(prt_hbm, prt_v)
    pltpu.sync_copy(ccos_hbm, ccos_v)
    pltpu.sync_copy(csin_hbm, csin_v)
    pltpu.sync_copy(bias_hbm, bias_v)

    def one_pass(src, dst, pp):
        def chunk_body(c, _):
            off = c * LANES
            poff = pp * HIDDEN + off
            prt = prt_v[pl.ds(poff, LANES)]
            cc = ccos_v[pl.ds(poff, LANES)]
            cs = csin_v[pl.ds(poff, LANES)]
            b = bias_v[pl.ds(poff, LANES)]

            @plsc.parallel_loop(0, TILE_ROWS, unroll=8)
            def row_body(r):
                rbase = r * HIDDEN
                h0 = src[pl.ds(rbase + off, LANES)]
                hp = plsc.load_gather(src, [prt + rbase])
                z = cc * h0 + (cs * hp + b)
                dst[pl.ds(rbase + off, LANES)] = z / (1.0 + jnp.exp(-z))

            return 0

        lax.fori_loop(0, HIDDEN // LANES, chunk_body, 0)

    def tile_body(t, _):
        pltpu.sync_copy(h_hbm.at[pl.ds(in_base + t * TILE_ELEMS, TILE_ELEMS)],
                        buf_a)
        one_pass(buf_a, buf_b, 0)
        one_pass(buf_b, buf_a, 1)
        one_pass(buf_a, buf_b, 2)
        pltpu.sync_copy(buf_b,
                        out_hbm.at[pl.ds(out_base + t * TILE_ELEMS, TILE_ELEMS)])
        return 0

    lax.fori_loop(0, n_tiles, tile_body, 0)


def _sc_part(h_full_flat, n_sc_rows, partner, ccos_g, csin_g, bias):
    mesh = plsc.VectorSubcoreMesh(core_axis_name="c", subcore_axis_name="s")
    sc_kernel = functools.partial(
        pl.kernel,
        out_type=jax.ShapeDtypeStruct((n_sc_rows * HIDDEN,), jnp.float32),
        mesh=mesh,
        compiler_params=pltpu.CompilerParams(needs_layout_passes=False),
        scratch_types=[
            pltpu.VMEM((N_PASSES * HIDDEN,), jnp.int32),
            pltpu.VMEM((N_PASSES * HIDDEN,), jnp.float32),
            pltpu.VMEM((N_PASSES * HIDDEN,), jnp.float32),
            pltpu.VMEM((N_PASSES * HIDDEN,), jnp.float32),
            pltpu.VMEM((TILE_ELEMS,), jnp.float32),
            pltpu.VMEM((TILE_ELEMS,), jnp.float32),
        ],
    )(_sc_body)
    return sc_kernel(h_full_flat, partner.reshape(-1), ccos_g.reshape(-1),
                     csin_g.reshape(-1), bias.reshape(-1))



def _tc_body(x_ref, S_ref, dcosg_ref, bias_ref, o_ref):
    h = x_ref[...]
    for pp in range(N_PASSES):
        hp = jnp.dot(h.astype(jnp.bfloat16), S_ref[pp],
                     preferred_element_type=jnp.float32)
        z = h * dcosg_ref[pp][None, :] + (hp + bias_ref[pp][None, :])
        h = z / (1.0 + jnp.exp(-z))
    o_ref[...] = h


def _tc_part(h_full, partner, csin_g, dcosg, bias):
    n_rows = h_full.shape[0]
    cols = jnp.arange(HIDDEN, dtype=jnp.int32)
    S = jnp.where(cols[None, :, None] == partner[:, None, :],
                  csin_g[:, None, :], 0.0).astype(jnp.bfloat16)
    return pl.pallas_call(
        _tc_body,
        grid=(TC_ROWS // TC_BLOCK_ROWS,),
        in_specs=[
            pl.BlockSpec((TC_BLOCK_ROWS, HIDDEN), lambda i: (i, 0)),
            pl.BlockSpec((N_PASSES, HIDDEN, HIDDEN), lambda i: (0, 0, 0)),
            pl.BlockSpec((N_PASSES, HIDDEN), lambda i: (0, 0)),
            pl.BlockSpec((N_PASSES, HIDDEN), lambda i: (0, 0)),
        ],
        out_specs=pl.BlockSpec((TC_BLOCK_ROWS, HIDDEN), lambda i: (i, 0)),
        out_shape=jax.ShapeDtypeStruct((n_rows, HIDDEN), jnp.float32),
    )(h_full, S, dcosg, bias)


def kernel(x, angles, gate, bias, plane_i, plane_j):
    orig_shape = x.shape
    n_rows = x.size // HIDDEN
    h = x.reshape(n_rows, HIDDEN)
    n_sc_rows = n_rows - TC_ROWS
    partner, ccos, csin = _col_params(angles, plane_i, plane_j)
    ccos_g = ccos * gate
    csin_g = csin * gate

    tc_out = _tc_part(h, partner, csin_g, ccos_g, bias)
    sc_out = _sc_part(h[TC_ROWS:].reshape(-1), n_sc_rows, partner, ccos_g,
                      csin_g, bias)
    out = lax.dynamic_update_slice(tc_out, sc_out.reshape(-1, HIDDEN),
                                   (TC_ROWS, 0))
    return out.reshape(orig_shape)

# --- scband reference (transcript-rebuilt; emitter-appended) ---
"""Pipeline reference for scband-deep-rotation-ffn-34600256537298 (READ-ONLY COPY).

The authoritative reference and input builder live on the scoring server;
editing this copy changes nothing except your own understanding.
"""

import jax, jax.numpy as jnp
import numpy as np

HIDDEN_DIM = 1024
N_PLANES = 256
N_PASSES = 3


def _make_planes():
    ii, jj = [], []
    for p in range(N_PASSES):
        rs = np.random.RandomState(42 + p * 1000)
        perm = rs.permutation(HIDDEN_DIM)
        actual = min(N_PLANES, HIDDEN_DIM // 2)
        ii.append(perm[:actual])
        jj.append(perm[actual:2 * actual])
    return jnp.asarray(np.stack(ii), dtype=jnp.int32), jnp.asarray(np.stack(jj), dtype=jnp.int32)


def setup_inputs(seed: int = 0) -> dict:
    key = jax.random.key(seed)
    k_x, k_a, k_g, k_b = jax.random.split(key, 4)
    x = jax.random.normal(k_x, (4, 8192, HIDDEN_DIM), dtype=jnp.float32)
    angles = jax.random.normal(k_a, (N_PASSES, N_PLANES), dtype=jnp.float32) * 0.1
    gate = 1.0 + jax.random.normal(k_g, (N_PASSES, HIDDEN_DIM), dtype=jnp.float32) * 0.1
    bias = jax.random.normal(k_b, (N_PASSES, HIDDEN_DIM), dtype=jnp.float32) * 0.1
    plane_i, plane_j = _make_planes()
    return {"x": x, "angles": angles, "gate": gate, "bias": bias,
            "plane_i": plane_i, "plane_j": plane_j}


def reference(x, angles, gate, bias, plane_i, plane_j):
    orig_shape = x.shape
    h = x.reshape(-1, HIDDEN_DIM)
    for p in range(N_PASSES):
        a = angles[p]
        cos_a = jnp.cos(a)
        sin_a = jnp.sin(a)
        pi = plane_i[p]
        pj = plane_j[p]
        hi = h[:, pi]
        hj = h[:, pj]
        h_new = h.at[:, pi].set(hi * cos_a - hj * sin_a)
        h_new = h_new.at[:, pj].set(hi * sin_a + hj * cos_a)
        h = jax.nn.silu(h_new * gate[p] + bias[p])
    return h.reshape(orig_shape)

if __name__ == "__main__":
    import jax
    _d = setup_inputs()
    print(jax.jit(kernel)(*tuple(_d.values())))

</pallas_src>

<mosaic_0001>
#map = affine_map<(d0, d1) -> (0)>
module attributes {stable_mosaic.version = 14 : i64} {
  func.func @_sc_body(%arg0: i32, %arg1: i32, %arg2: memref<7340032xf32, #tpu.memory_space<hbm>>, %arg3: memref<3072xi32, #tpu.memory_space<hbm>>, %arg4: memref<3072xf32, #tpu.memory_space<hbm>>, %arg5: memref<3072xf32, #tpu.memory_space<hbm>>, %arg6: memref<3072xf32, #tpu.memory_space<hbm>>, %arg7: memref<7340032xf32, #tpu.memory_space<hbm>>, %arg8: memref<3072xi32, #tpu.memory_space<vmem>>, %arg9: memref<3072xf32, #tpu.memory_space<vmem>>, %arg10: memref<3072xf32, #tpu.memory_space<vmem>>, %arg11: memref<3072xf32, #tpu.memory_space<vmem>>, %arg12: memref<32768xf32, #tpu.memory_space<vmem>>, %arg13: memref<32768xf32, #tpu.memory_space<vmem>>) attributes {dimension_semantics = [#tpu.dimension_semantics<core_parallel>, #tpu.dimension_semantics<subcore_parallel>], iteration_bounds = array<i64: 2, 16>, scalar_prefetch = 0 : i64, scratch_operands = 6 : i64, tpu.core_type = #tpu.core_type<sc_vector_subcore>, window_params = [{transform_indices = #map}, {transform_indices = #map}, {transform_indices = #map}, {transform_indices = #map}, {transform_indices = #map}, {transform_indices = #map}]} {
    %mul3A = arith.constant 2 : i32
    %mul3A_0 = arith.muli %arg1, %mul3A : i32
    %add3A = arith.addi %mul3A_0, %arg0 : i32
    %mul3A_1 = arith.constant 229376 : i32
    %mul3A_2 = arith.muli %add3A, %mul3A_1 : i32
    %mul3A_3 = arith.constant 229376 : i32
    %mul3A_4 = arith.muli %add3A, %mul3A_3 : i32
    "tpu.region"() ({
      %run_scoped3A = tpu.sem_alloc : memref<!tpu.dma_semaphore, #tpu.memory_space<semaphore_mem>>
      tpu.enqueue_dma source(%arg3 : memref<3072xi32, #tpu.memory_space<hbm>>) target(%arg8 : memref<3072xi32, #tpu.memory_space<vmem>>) target_semaphore(%run_scoped3A : memref<!tpu.dma_semaphore, #tpu.memory_space<semaphore_mem>>)
      tpu.wait_dma2 semaphore(%run_scoped3A : memref<!tpu.dma_semaphore, #tpu.memory_space<semaphore_mem>>) src(%arg3 : memref<3072xi32, #tpu.memory_space<hbm>>) dst(%arg8 : memref<3072xi32, #tpu.memory_space<vmem>>)
      tpu.yield
    }) : () -> ()
    "tpu.region"() ({
      %run_scoped3A = tpu.sem_alloc : memref<!tpu.dma_semaphore, #tpu.memory_space<semaphore_mem>>
      tpu.enqueue_dma source(%arg4 : memref<3072xf32, #tpu.memory_space<hbm>>) target(%arg9 : memref<3072xf32, #tpu.memory_space<vmem>>) target_semaphore(%run_scoped3A : memref<!tpu.dma_semaphore, #tpu.memory_space<semaphore_mem>>)
      tpu.wait_dma2 semaphore(%run_scoped3A : memref<!tpu.dma_semaphore, #tpu.memory_space<semaphore_mem>>) src(%arg4 : memref<3072xf32, #tpu.memory_space<hbm>>) dst(%arg9 : memref<3072xf32, #tpu.memory_space<vmem>>)
      tpu.yield
    }) : () -> ()
    "tpu.region"() ({
      %run_scoped3A = tpu.sem_alloc : memref<!tpu.dma_semaphore, #tpu.memory_space<semaphore_mem>>
      tpu.enqueue_dma source(%arg5 : memref<3072xf32, #tpu.memory_space<hbm>>) target(%arg10 : memref<3072xf32, #tpu.memory_space<vmem>>) target_semaphore(%run_scoped3A : memref<!tpu.dma_semaphore, #tpu.memory_space<semaphore_mem>>)
      tpu.wait_dma2 semaphore(%run_scoped3A : memref<!tpu.dma_semaphore, #tpu.memory_space<semaphore_mem>>) src(%arg5 : memref<3072xf32, #tpu.memory_space<hbm>>) dst(%arg10 : memref<3072xf32, #tpu.memory_space<vmem>>)
      tpu.yield
    }) : () -> ()
    "tpu.region"() ({
      %run_scoped3A = tpu.sem_alloc : memref<!tpu.dma_semaphore, #tpu.memory_space<semaphore_mem>>
      tpu.enqueue_dma source(%arg6 : memref<3072xf32, #tpu.memory_space<hbm>>) target(%arg11 : memref<3072xf32, #tpu.memory_space<vmem>>) target_semaphore(%run_scoped3A : memref<!tpu.dma_semaphore, #tpu.memory_space<semaphore_mem>>)
      tpu.wait_dma2 semaphore(%run_scoped3A : memref<!tpu.dma_semaphore, #tpu.memory_space<semaphore_mem>>) src(%arg6 : memref<3072xf32, #tpu.memory_space<hbm>>) dst(%arg11 : memref<3072xf32, #tpu.memory_space<vmem>>)
      tpu.yield
    }) : () -> ()
    %scan3A = arith.constant 0 : i32
    %scan3A_5 = arith.constant 0 : i32
    %scan3A_6 = arith.constant 7 : i32
    %scan3A_7 = arith.addi %scan3A_5, %scan3A_6 : i32
    %scan3A_8 = arith.constant 1 : i32
    %scan3A_9 = scf.for %scan3A_11 = %scan3A_5 to %scan3A_7 step %scan3A_8 iter_args(%scan3A_12 = %scan3A) -> (i32)  : i32 {
      %mul3A_13 = arith.constant 32768 : i32
      %mul3A_14 = arith.muli %scan3A_11, %mul3A_13 : i32
      %add3A_15 = arith.addi %mul3A_2, %mul3A_14 : i32
      "tpu.region"() ({
        %run_scoped3A = tpu.sem_alloc : memref<!tpu.dma_semaphore, #tpu.memory_space<semaphore_mem>>
        %dma_start3A = tpu.memref_slice %arg2[%add3A_15] : memref<7340032xf32, #tpu.memory_space<hbm>> -> memref<32768xf32, #tpu.memory_space<hbm>>
        %dma_start3A_41 = tpu.memref_slice %arg2[%add3A_15] : memref<7340032xf32, #tpu.memory_space<hbm>> -> memref<32768xf32, #tpu.memory_space<hbm>>
        tpu.enqueue_dma source(%dma_start3A_41 : memref<32768xf32, #tpu.memory_space<hbm>>) target(%arg12 : memref<32768xf32, #tpu.memory_space<vmem>>) target_semaphore(%run_scoped3A : memref<!tpu.dma_semaphore, #tpu.memory_space<semaphore_mem>>)
        %dma_wait3A = tpu.memref_slice %arg2[%add3A_15] : memref<7340032xf32, #tpu.memory_space<hbm>> -> memref<32768xf32, #tpu.memory_space<hbm>>
        %dma_wait3A_42 = tpu.memref_slice %arg2[%add3A_15] : memref<7340032xf32, #tpu.memory_space<hbm>> -> memref<32768xf32, #tpu.memory_space<hbm>>
        tpu.wait_dma2 semaphore(%run_scoped3A : memref<!tpu.dma_semaphore, #tpu.memory_space<semaphore_mem>>) src(%dma_wait3A_42 : memref<32768xf32, #tpu.memory_space<hbm>>) dst(%arg12 : memref<32768xf32, #tpu.memory_space<vmem>>)
        tpu.yield
      }) : () -> ()
      %scan3A_16 = arith.constant 0 : i32
      %scan3A_17 = arith.constant 0 : i32
      %scan3A_18 = arith.constant 64 : i32
      %scan3A_19 = arith.addi %scan3A_17, %scan3A_18 : i32
      %scan3A_20 = arith.constant 1 : i32
      %scan3A_21 = scf.for %scan3A_41 = %scan3A_17 to %scan3A_19 step %scan3A_20 iter_args(%scan3A_42 = %scan3A_16) -> (i32)  : i32 {
        %mul3A_43 = arith.constant 16 : i32
        %mul3A_44 = arith.muli %scan3A_41, %mul3A_43 : i32
        %add3A_45 = arith.constant 0 : i32
        %add3A_46 = arith.addi %add3A_45, %mul3A_44 : i32
        %get3A = arith.index_cast %add3A_46 : i32 to index
        %get3A_47 = tpu.vector_load %arg8[%get3A] {strides = array<i32>} : memref<3072xi32, #tpu.memory_space<vmem>>, vector<16xi32>,
        %get3A_48 = arith.index_cast %add3A_46 : i32 to index
        %get3A_49 = tpu.vector_load %arg9[%get3A_48] {strides = array<i32>} : memref<3072xf32, #tpu.memory_space<vmem>>, vector<16xf32>,
        %get3A_50 = arith.index_cast %add3A_46 : i32 to index
        %get3A_51 = tpu.vector_load %arg10[%get3A_50] {strides = array<i32>} : memref<3072xf32, #tpu.memory_space<vmem>>, vector<16xf32>,
        %get3A_52 = arith.index_cast %add3A_46 : i32 to index
        %get3A_53 = tpu.vector_load %arg11[%get3A_52] {strides = array<i32>} : memref<3072xf32, #tpu.memory_space<vmem>>, vector<16xf32>,
        %parallel_loop3A = arith.constant 0 : i32
        %parallel_loop3A_54 = arith.constant 32 : i32
        %parallel_loop3A_55 = arith.constant 1 : i32
        scf.for %parallel_loop3A_57 = %parallel_loop3A to %parallel_loop3A_54 step %parallel_loop3A_55  : i32 {
          %parallel_loop3A_58 = arith.constant 1024 : i32
          %parallel_loop3A_59 = arith.muli %parallel_loop3A_57, %parallel_loop3A_58 : i32
          %parallel_loop3A_60 = arith.addi %parallel_loop3A_59, %mul3A_44 : i32
          %parallel_loop3A_61 = arith.index_cast %parallel_loop3A_60 : i32 to index
          %parallel_loop3A_62 = tpu.vector_load %arg12[%parallel_loop3A_61] {strides = array<i32>} : memref<32768xf32, #tpu.memory_space<vmem>>, vector<16xf32>,
          %parallel_loop3A_63 = vector.broadcast %parallel_loop3A_59 : i32 to vector<16xi32>
          %parallel_loop3A_64 = arith.addi %get3A_47, %parallel_loop3A_63 : vector<16xi32>
          %parallel_loop3A_65 = tpu.vector_load_idx %arg12[%parallel_loop3A_64] : memref<32768xf32, #tpu.memory_space<vmem>>[vector<16xi32>], vector<16xf32>,
          %parallel_loop3A_66 = arith.mulf %get3A_49, %parallel_loop3A_62 : vector<16xf32>
          %parallel_loop3A_67 = arith.mulf %get3A_51, %parallel_loop3A_65 : vector<16xf32>
          %parallel_loop3A_68 = arith.addf %parallel_loop3A_67, %get3A_53 : vector<16xf32>
          %parallel_loop3A_69 = arith.addf %parallel_loop3A_66, %parallel_loop3A_68 : vector<16xf32>
          %parallel_loop3A_70 = arith.constant 0.000000e+00 : f32
          %parallel_loop3A_71 = vector.broadcast %parallel_loop3A_70 : f32 to vector<16xf32>
          %parallel_loop3A_72 = arith.subf %parallel_loop3A_71, %parallel_loop3A_69 : vector<16xf32>
          %parallel_loop3A_73 = math.exp %parallel_loop3A_72 : vector<16xf32>
          %parallel_loop3A_74 = arith.constant 1.000000e+00 : f32
          %parallel_loop3A_75 = vector.broadcast %parallel_loop3A_74 : f32 to vector<16xf32>
          %parallel_loop3A_76 = arith.addf %parallel_loop3A_75, %parallel_loop3A_73 : vector<16xf32>
          %parallel_loop3A_77 = arith.divf %parallel_loop3A_69, %parallel_loop3A_76 : vector<16xf32>
          %parallel_loop3A_78 = arith.addi %parallel_loop3A_59, %mul3A_44 : i32
          %parallel_loop3A_79 = arith.index_cast %parallel_loop3A_78 : i32 to index
          %parallel_loop3A_80 = tpu.vector_load %arg13[%parallel_loop3A_79] {strides = array<i32>} : memref<32768xf32, #tpu.memory_space<vmem>>, vector<16xf32>,
          tpu.vector_store %arg13[%parallel_loop3A_79], %parallel_loop3A_77 {strides = array<i32>} : memref<32768xf32, #tpu.memory_space<vmem>>, vector<16xf32>,
        } {sc.loop_unroll_factor = 8 : i64, sc.parallel_access}
        %scan3A_56 = arith.constant 0 : i32
        scf.yield %scan3A_56 : i32
      }
      %scan3A_22 = arith.constant 64 : i32
      %scan3A_23 = arith.constant 0 : i32
      %scan3A_24 = arith.constant 0 : i32
      %scan3A_25 = arith.constant 64 : i32
      %scan3A_26 = arith.addi %scan3A_24, %scan3A_25 : i32
      %scan3A_27 = arith.constant 1 : i32
      %scan3A_28 = scf.for %scan3A_41 = %scan3A_24 to %scan3A_26 step %scan3A_27 iter_args(%scan3A_42 = %scan3A_23) -> (i32)  : i32 {
        %mul3A_43 = arith.constant 16 : i32
        %mul3A_44 = arith.muli %scan3A_41, %mul3A_43 : i32
        %add3A_45 = arith.constant 1024 : i32
        %add3A_46 = arith.addi %add3A_45, %mul3A_44 : i32
        %get3A = arith.index_cast %add3A_46 : i32 to index
        %get3A_47 = tpu.vector_load %arg8[%get3A] {strides = array<i32>} : memref<3072xi32, #tpu.memory_space<vmem>>, vector<16xi32>,
        %get3A_48 = arith.index_cast %add3A_46 : i32 to index
        %get3A_49 = tpu.vector_load %arg9[%get3A_48] {strides = array<i32>} : memref<3072xf32, #tpu.memory_space<vmem>>, vector<16xf32>,
        %get3A_50 = arith.index_cast %add3A_46 : i32 to index
        %get3A_51 = tpu.vector_load %arg10[%get3A_50] {strides = array<i32>} : memref<3072xf32, #tpu.memory_space<vmem>>, vector<16xf32>,
        %get3A_52 = arith.index_cast %add3A_46 : i32 to index
        %get3A_53 = tpu.vector_load %arg11[%get3A_52] {strides = array<i32>} : memref<3072xf32, #tpu.memory_space<vmem>>, vector<16xf32>,
        %parallel_loop3A = arith.constant 0 : i32
        %parallel_loop3A_54 = arith.constant 32 : i32
        %parallel_loop3A_55 = arith.constant 1 : i32
        scf.for %parallel_loop3A_57 = %parallel_loop3A to %parallel_loop3A_54 step %parallel_loop3A_55  : i32 {
          %parallel_loop3A_58 = arith.constant 1024 : i32
          %parallel_loop3A_59 = arith.muli %parallel_loop3A_57, %parallel_loop3A_58 : i32
          %parallel_loop3A_60 = arith.addi %parallel_loop3A_59, %mul3A_44 : i32
          %parallel_loop3A_61 = arith.index_cast %parallel_loop3A_60 : i32 to index
          %parallel_loop3A_62 = tpu.vector_load %arg13[%parallel_loop3A_61] {strides = array<i32>} : memref<32768xf32, #tpu.memory_space<vmem>>, vector<16xf32>,
          %parallel_loop3A_63 = vector.broadcast %parallel_loop3A_59 : i32 to vector<16xi32>
          %parallel_loop3A_64 = arith.addi %get3A_47, %parallel_loop3A_63 : vector<16xi32>
          %parallel_loop3A_65 = tpu.vector_load_idx %arg13[%parallel_loop3A_64] : memref<32768xf32, #tpu.memory_space<vmem>>[vector<16xi32>], vector<16xf32>,
          %parallel_loop3A_66 = arith.mulf %get3A_49, %parallel_loop3A_62 : vector<16xf32>
          %parallel_loop3A_67 = arith.mulf %get3A_51, %parallel_loop3A_65 : vector<16xf32>
          %parallel_loop3A_68 = arith.addf %parallel_loop3A_67, %get3A_53 : vector<16xf32>
          %parallel_loop3A_69 = arith.addf %parallel_loop3A_66, %parallel_loop3A_68 : vector<16xf32>
          %parallel_loop3A_70 = arith.constant 0.000000e+00 : f32
          %parallel_loop3A_71 = vector.broadcast %parallel_loop3A_70 : f32 to vector<16xf32>
          %parallel_loop3A_72 = arith.subf %parallel_loop3A_71, %parallel_loop3A_69 : vector<16xf32>
          %parallel_loop3A_73 = math.exp %parallel_loop3A_72 : vector<16xf32>
          %parallel_loop3A_74 = arith.constant 1.000000e+00 : f32
          %parallel_loop3A_75 = vector.broadcast %parallel_loop3A_74 : f32 to vector<16xf32>
          %parallel_loop3A_76 = arith.addf %parallel_loop3A_75, %parallel_loop3A_73 : vector<16xf32>
          %parallel_loop3A_77 = arith.divf %parallel_loop3A_69, %parallel_loop3A_76 : vector<16xf32>
          %parallel_loop3A_78 = arith.addi %parallel_loop3A_59, %mul3A_44 : i32
          %parallel_loop3A_79 = arith.index_cast %parallel_loop3A_78 : i32 to index
          %parallel_loop3A_80 = tpu.vector_load %arg12[%parallel_loop3A_79] {strides = array<i32>} : memref<32768xf32, #tpu.memory_space<vmem>>, vector<16xf32>,
          tpu.vector_store %arg12[%parallel_loop3A_79], %parallel_loop3A_77 {strides = array<i32>} : memref<32768xf32, #tpu.memory_space<vmem>>, vector<16xf32>,
        } {sc.loop_unroll_factor = 8 : i64, sc.parallel_access}
        %scan3A_56 = arith.constant 0 : i32
        scf.yield %scan3A_56 : i32
      }
      %scan3A_29 = arith.constant 64 : i32
      %scan3A_30 = arith.constant 0 : i32
      %scan3A_31 = arith.constant 0 : i32
      %scan3A_32 = arith.constant 64 : i32
      %scan3A_33 = arith.addi %scan3A_31, %scan3A_32 : i32
      %scan3A_34 = arith.constant 1 : i32
      %scan3A_35 = scf.for %scan3A_41 = %scan3A_31 to %scan3A_33 step %scan3A_34 iter_args(%scan3A_42 = %scan3A_30) -> (i32)  : i32 {
        %mul3A_43 = arith.constant 16 : i32
        %mul3A_44 = arith.muli %scan3A_41, %mul3A_43 : i32
        %add3A_45 = arith.constant 2048 : i32
        %add3A_46 = arith.addi %add3A_45, %mul3A_44 : i32
        %get3A = arith.index_cast %add3A_46 : i32 to index
        %get3A_47 = tpu.vector_load %arg8[%get3A] {strides = array<i32>} : memref<3072xi32, #tpu.memory_space<vmem>>, vector<16xi32>,
        %get3A_48 = arith.index_cast %add3A_46 : i32 to index
        %get3A_49 = tpu.vector_load %arg9[%get3A_48] {strides = array<i32>} : memref<3072xf32, #tpu.memory_space<vmem>>, vector<16xf32>,
        %get3A_50 = arith.index_cast %add3A_46 : i32 to index
        %get3A_51 = tpu.vector_load %arg10[%get3A_50] {strides = array<i32>} : memref<3072xf32, #tpu.memory_space<vmem>>, vector<16xf32>,
        %get3A_52 = arith.index_cast %add3A_46 : i32 to index
        %get3A_53 = tpu.vector_load %arg11[%get3A_52] {strides = array<i32>} : memref<3072xf32, #tpu.memory_space<vmem>>, vector<16xf32>,
        %parallel_loop3A = arith.constant 0 : i32
        %parallel_loop3A_54 = arith.constant 32 : i32
        %parallel_loop3A_55 = arith.constant 1 : i32
        scf.for %parallel_loop3A_57 = %parallel_loop3A to %parallel_loop3A_54 step %parallel_loop3A_55  : i32 {
          %parallel_loop3A_58 = arith.constant 1024 : i32
          %parallel_loop3A_59 = arith.muli %parallel_loop3A_57, %parallel_loop3A_58 : i32
          %parallel_loop3A_60 = arith.addi %parallel_loop3A_59, %mul3A_44 : i32
          %parallel_loop3A_61 = arith.index_cast %parallel_loop3A_60 : i32 to index
          %parallel_loop3A_62 = tpu.vector_load %arg12[%parallel_loop3A_61] {strides = array<i32>} : memref<32768xf32, #tpu.memory_space<vmem>>, vector<16xf32>,
          %parallel_loop3A_63 = vector.broadcast %parallel_loop3A_59 : i32 to vector<16xi32>
          %parallel_loop3A_64 = arith.addi %get3A_47, %parallel_loop3A_63 : vector<16xi32>
          %parallel_loop3A_65 = tpu.vector_load_idx %arg12[%parallel_loop3A_64] : memref<32768xf32, #tpu.memory_space<vmem>>[vector<16xi32>], vector<16xf32>,
          %parallel_loop3A_66 = arith.mulf %get3A_49, %parallel_loop3A_62 : vector<16xf32>
          %parallel_loop3A_67 = arith.mulf %get3A_51, %parallel_loop3A_65 : vector<16xf32>
          %parallel_loop3A_68 = arith.addf %parallel_loop3A_67, %get3A_53 : vector<16xf32>
          %parallel_loop3A_69 = arith.addf %parallel_loop3A_66, %parallel_loop3A_68 : vector<16xf32>
          %parallel_loop3A_70 = arith.constant 0.000000e+00 : f32
          %parallel_loop3A_71 = vector.broadcast %parallel_loop3A_70 : f32 to vector<16xf32>
          %parallel_loop3A_72 = arith.subf %parallel_loop3A_71, %parallel_loop3A_69 : vector<16xf32>
          %parallel_loop3A_73 = math.exp %parallel_loop3A_72 : vector<16xf32>
          %parallel_loop3A_74 = arith.constant 1.000000e+00 : f32
          %parallel_loop3A_75 = vector.broadcast %parallel_loop3A_74 : f32 to vector<16xf32>
          %parallel_loop3A_76 = arith.addf %parallel_loop3A_75, %parallel_loop3A_73 : vector<16xf32>
          %parallel_loop3A_77 = arith.divf %parallel_loop3A_69, %parallel_loop3A_76 : vector<16xf32>
          %parallel_loop3A_78 = arith.addi %parallel_loop3A_59, %mul3A_44 : i32
          %parallel_loop3A_79 = arith.index_cast %parallel_loop3A_78 : i32 to index
          %parallel_loop3A_80 = tpu.vector_load %arg13[%parallel_loop3A_79] {strides = array<i32>} : memref<32768xf32, #tpu.memory_space<vmem>>, vector<16xf32>,
          tpu.vector_store %arg13[%parallel_loop3A_79], %parallel_loop3A_77 {strides = array<i32>} : memref<32768xf32, #tpu.memory_space<vmem>>, vector<16xf32>,
        } {sc.loop_unroll_factor = 8 : i64, sc.parallel_access}
        %scan3A_56 = arith.constant 0 : i32
        scf.yield %scan3A_56 : i32
      }
      %scan3A_36 = arith.constant 64 : i32
      %mul3A_37 = arith.constant 32768 : i32
      %mul3A_38 = arith.muli %scan3A_11, %mul3A_37 : i32
      %add3A_39 = arith.addi %mul3A_4, %mul3A_38 : i32
      "tpu.region"() ({
        %run_scoped3A = tpu.sem_alloc : memref<!tpu.dma_semaphore, #tpu.memory_space<semaphore_mem>>
        %dma_start3A = tpu.memref_slice %arg7[%add3A_39] : memref<7340032xf32, #tpu.memory_space<hbm>> -> memref<32768xf32, #tpu.memory_space<hbm>>
        %dma_start3A_41 = tpu.memref_slice %arg7[%add3A_39] : memref<7340032xf32, #tpu.memory_space<hbm>> -> memref<32768xf32, #tpu.memory_space<hbm>>
        tpu.enqueue_dma source(%arg13 : memref<32768xf32, #tpu.memory_space<vmem>>) target(%dma_start3A_41 : memref<32768xf32, #tpu.memory_space<hbm>>) target_semaphore(%run_scoped3A : memref<!tpu.dma_semaphore, #tpu.memory_space<semaphore_mem>>)
        %dma_wait3A = tpu.memref_slice %arg7[%add3A_39] : memref<7340032xf32, #tpu.memory_space<hbm>> -> memref<32768xf32, #tpu.memory_space<hbm>>
        %dma_wait3A_42 = tpu.memref_slice %arg7[%add3A_39] : memref<7340032xf32, #tpu.memory_space<hbm>> -> memref<32768xf32, #tpu.memory_space<hbm>>
        tpu.wait_dma2 semaphore(%run_scoped3A : memref<!tpu.dma_semaphore, #tpu.memory_space<semaphore_mem>>) src(%arg13 : memref<32768xf32, #tpu.memory_space<vmem>>) dst(%dma_wait3A_42 : memref<32768xf32, #tpu.memory_space<hbm>>)
        tpu.yield
      }) : () -> ()
      %scan3A_40 = arith.constant 0 : i32
      scf.yield %scan3A_40 : i32
    }
    %scan3A_10 = arith.constant 7 : i32
    return
  }
}

module attributes {stable_mosaic.version = 14 : i64} {
  func.func @_tc_body(%arg0: i32, %arg1: memref<1024x1024xf32, #tpu.memory_space<vmem>>, %arg2: memref<3x1024x1024xbf16, #tpu.memory_space<vmem>>, %arg3: memref<3x1024xf32, #tpu.memory_space<vmem>>, %arg4: memref<3x1024xf32, #tpu.memory_space<vmem>>, %arg5: memref<1024x1024xf32, #tpu.memory_space<vmem>>) attributes {dimension_semantics = [#tpu.dimension_semantics<arbitrary>], iteration_bounds = array<i64: 25>, scalar_prefetch = 0 : i64, scratch_operands = 0 : i64, tpu.core_type = #tpu.core_type<tc>, window_params = [{transform_indices = @transform_0, window_bounds = array<i64: 1024, 1024>}, {pipeline_mode = #tpu.pipeline_mode<synchronous>, transform_indices = @transform_1, window_bounds = array<i64: 3, 1024, 1024>}, {pipeline_mode = #tpu.pipeline_mode<synchronous>, transform_indices = @transform_2, window_bounds = array<i64: 3, 1024>}, {pipeline_mode = #tpu.pipeline_mode<synchronous>, transform_indices = @transform_3, window_bounds = array<i64: 3, 1024>}, {transform_indices = @transform_4, window_bounds = array<i64: 1024, 1024>}]} {
    %get3A = arith.constant 0 : index
    %get3A_0 = arith.constant 0 : index
    %get3A_1 = vector.load %arg1[%get3A, %get3A_0] : memref<1024x1024xf32, #tpu.memory_space<vmem>>, vector<1024x1024xf32>
    %convert_element_type3A = arith.truncf %get3A_1 : vector<1024x1024xf32> to vector<1024x1024xbf16>
    %get3A_2 = arith.constant 0 : index
    %get3A_3 = arith.constant 0 : index
    %get3A_4 = arith.constant 0 : index
    %get3A_5 = vector.load %arg2[%get3A_2, %get3A_3, %get3A_4] : memref<3x1024x1024xbf16, #tpu.memory_space<vmem>>, vector<1x1024x1024xbf16>
    %get3A_6 = vector.shape_cast %get3A_5 : vector<1x1024x1024xbf16> to vector<1024x1024xbf16>
    %dot_general3A = arith.constant dense<0.000000e+00> : vector<1024x1024xf32>
    %dot_general3A_7 = tpu.matmul %convert_element_type3A, %get3A_6, %dot_general3A {dimension_numbers = #tpu.dot_dimension_numbers<[1], [0], [0], [1], [0, 0, 1, 1], [], []>, transpose_lhs_hint = false} : vector<1024x1024xbf16>, vector<1024x1024xbf16>, vector<1024x1024xf32> -> vector<1024x1024xf32>
    %get3A_8 = arith.constant 0 : index
    %get3A_9 = arith.constant 0 : index
    %get3A_10 = vector.load %arg3[%get3A_8, %get3A_9] : memref<3x1024xf32, #tpu.memory_space<vmem>>, vector<1x1024xf32>
    %get3A_11 = vector.shape_cast %get3A_10 : vector<1x1024xf32> to vector<1024xf32>
    %broadcast_in_dim3A = vector.shape_cast %get3A_11 : vector<1024xf32> to vector<1x1024xf32>
    %mul3A = vector.broadcast %broadcast_in_dim3A : vector<1x1024xf32> to vector<1024x1024xf32>
    %mul3A_12 = arith.mulf %get3A_1, %mul3A : vector<1024x1024xf32>
    %get3A_13 = arith.constant 0 : index
    %get3A_14 = arith.constant 0 : index
    %get3A_15 = vector.load %arg4[%get3A_13, %get3A_14] : memref<3x1024xf32, #tpu.memory_space<vmem>>, vector<1x1024xf32>
    %get3A_16 = vector.shape_cast %get3A_15 : vector<1x1024xf32> to vector<1024xf32>
    %broadcast_in_dim3A_17 = vector.shape_cast %get3A_16 : vector<1024xf32> to vector<1x1024xf32>
    %add3A = vector.broadcast %broadcast_in_dim3A_17 : vector<1x1024xf32> to vector<1024x1024xf32>
    %add3A_18 = arith.addf %dot_general3A_7, %add3A : vector<1024x1024xf32>
    %add3A_19 = arith.addf %mul3A_12, %add3A_18 : vector<1024x1024xf32>
    %neg3A = arith.constant 0.000000e+00 : f32
    %neg3A_20 = vector.broadcast %neg3A : f32 to vector<1024x1024xf32>
    %neg3A_21 = arith.subf %neg3A_20, %add3A_19 : vector<1024x1024xf32>
    %exp3A = math.exp %neg3A_21 : vector<1024x1024xf32>
    %add3A_22 = arith.constant 1.000000e+00 : f32
    %add3A_23 = vector.broadcast %add3A_22 : f32 to vector<1024x1024xf32>
    %add3A_24 = arith.addf %add3A_23, %exp3A : vector<1024x1024xf32>
    %div3A = arith.divf %add3A_19, %add3A_24 : vector<1024x1024xf32>
    %convert_element_type3A_25 = arith.truncf %div3A : vector<1024x1024xf32> to vector<1024x1024xbf16>
    %get3A_26 = arith.constant 1 : index
    %get3A_27 = arith.constant 0 : index
    %get3A_28 = arith.constant 0 : index
    %get3A_29 = vector.load %arg2[%get3A_26, %get3A_27, %get3A_28] : memref<3x1024x1024xbf16, #tpu.memory_space<vmem>>, vector<1x1024x1024xbf16>
    %get3A_30 = vector.shape_cast %get3A_29 : vector<1x1024x1024xbf16> to vector<1024x1024xbf16>
    %dot_general3A_31 = arith.constant dense<0.000000e+00> : vector<1024x1024xf32>
    %dot_general3A_32 = tpu.matmul %convert_element_type3A_25, %get3A_30, %dot_general3A_31 {dimension_numbers = #tpu.dot_dimension_numbers<[1], [0], [0], [1], [0, 0, 1, 1], [], []>, transpose_lhs_hint = false} : vector<1024x1024xbf16>, vector<1024x1024xbf16>, vector<1024x1024xf32> -> vector<1024x1024xf32>
    %get3A_33 = arith.constant 1 : index
    %get3A_34 = arith.constant 0 : index
    %get3A_35 = vector.load %arg3[%get3A_33, %get3A_34] : memref<3x1024xf32, #tpu.memory_space<vmem>>, vector<1x1024xf32>
    %get3A_36 = vector.shape_cast %get3A_35 : vector<1x1024xf32> to vector<1024xf32>
    %broadcast_in_dim3A_37 = vector.shape_cast %get3A_36 : vector<1024xf32> to vector<1x1024xf32>
    %mul3A_38 = vector.broadcast %broadcast_in_dim3A_37 : vector<1x1024xf32> to vector<1024x1024xf32>
    %mul3A_39 = arith.mulf %div3A, %mul3A_38 : vector<1024x1024xf32>
    %get3A_40 = arith.constant 1 : index
    %get3A_41 = arith.constant 0 : index
    %get3A_42 = vector.load %arg4[%get3A_40, %get3A_41] : memref<3x1024xf32, #tpu.memory_space<vmem>>, vector<1x1024xf32>
    %get3A_43 = vector.shape_cast %get3A_42 : vector<1x1024xf32> to vector<1024xf32>
    %broadcast_in_dim3A_44 = vector.shape_cast %get3A_43 : vector<1024xf32> to vector<1x1024xf32>
    %add3A_45 = vector.broadcast %broadcast_in_dim3A_44 : vector<1x1024xf32> to vector<1024x1024xf32>
    %add3A_46 = arith.addf %dot_general3A_32, %add3A_45 : vector<1024x1024xf32>
    %add3A_47 = arith.addf %mul3A_39, %add3A_46 : vector<1024x1024xf32>
    %neg3A_48 = arith.constant 0.000000e+00 : f32
    %neg3A_49 = vector.broadcast %neg3A_48 : f32 to vector<1024x1024xf32>
    %neg3A_50 = arith.subf %neg3A_49, %add3A_47 : vector<1024x1024xf32>
    %exp3A_51 = math.exp %neg3A_50 : vector<1024x1024xf32>
    %add3A_52 = arith.constant 1.000000e+00 : f32
    %add3A_53 = vector.broadcast %add3A_52 : f32 to vector<1024x1024xf32>
    %add3A_54 = arith.addf %add3A_53, %exp3A_51 : vector<1024x1024xf32>
    %div3A_55 = arith.divf %add3A_47, %add3A_54 : vector<1024x1024xf32>
    %convert_element_type3A_56 = arith.truncf %div3A_55 : vector<1024x1024xf32> to vector<1024x1024xbf16>
    %get3A_57 = arith.constant 2 : index
    %get3A_58 = arith.constant 0 : index
    %get3A_59 = arith.constant 0 : index
    %get3A_60 = vector.load %arg2[%get3A_57, %get3A_58, %get3A_59] : memref<3x1024x1024xbf16, #tpu.memory_space<vmem>>, vector<1x1024x1024xbf16>
    %get3A_61 = vector.shape_cast %get3A_60 : vector<1x1024x1024xbf16> to vector<1024x1024xbf16>
    %dot_general3A_62 = arith.constant dense<0.000000e+00> : vector<1024x1024xf32>
    %dot_general3A_63 = tpu.matmul %convert_element_type3A_56, %get3A_61, %dot_general3A_62 {dimension_numbers = #tpu.dot_dimension_numbers<[1], [0], [0], [1], [0, 0, 1, 1], [], []>, transpose_lhs_hint = false} : vector<1024x1024xbf16>, vector<1024x1024xbf16>, vector<1024x1024xf32> -> vector<1024x1024xf32>
    %get3A_64 = arith.constant 2 : index
    %get3A_65 = arith.constant 0 : index
    %get3A_66 = vector.load %arg3[%get3A_64, %get3A_65] : memref<3x1024xf32, #tpu.memory_space<vmem>>, vector<1x1024xf32>
    %get3A_67 = vector.shape_cast %get3A_66 : vector<1x1024xf32> to vector<1024xf32>
    %broadcast_in_dim3A_68 = vector.shape_cast %get3A_67 : vector<1024xf32> to vector<1x1024xf32>
    %mul3A_69 = vector.broadcast %broadcast_in_dim3A_68 : vector<1x1024xf32> to vector<1024x1024xf32>
    %mul3A_70 = arith.mulf %div3A_55, %mul3A_69 : vector<1024x1024xf32>
    %get3A_71 = arith.constant 2 : index
    %get3A_72 = arith.constant 0 : index
    %get3A_73 = vector.load %arg4[%get3A_71, %get3A_72] : memref<3x1024xf32, #tpu.memory_space<vmem>>, vector<1x1024xf32>
    %get3A_74 = vector.shape_cast %get3A_73 : vector<1x1024xf32> to vector<1024xf32>
    %broadcast_in_dim3A_75 = vector.shape_cast %get3A_74 : vector<1024xf32> to vector<1x1024xf32>
    %add3A_76 = vector.broadcast %broadcast_in_dim3A_75 : vector<1x1024xf32> to vector<1024x1024xf32>
    %add3A_77 = arith.addf %dot_general3A_63, %add3A_76 : vector<1024x1024xf32>
    %add3A_78 = arith.addf %mul3A_70, %add3A_77 : vector<1024x1024xf32>
    %neg3A_79 = arith.constant 0.000000e+00 : f32
    %neg3A_80 = vector.broadcast %neg3A_79 : f32 to vector<1024x1024xf32>
    %neg3A_81 = arith.subf %neg3A_80, %add3A_78 : vector<1024x1024xf32>
    %exp3A_82 = math.exp %neg3A_81 : vector<1024x1024xf32>
    %add3A_83 = arith.constant 1.000000e+00 : f32
    %add3A_84 = vector.broadcast %add3A_83 : f32 to vector<1024x1024xf32>
    %add3A_85 = arith.addf %add3A_84, %exp3A_82 : vector<1024x1024xf32>
    %div3A_86 = arith.divf %add3A_78, %add3A_85 : vector<1024x1024xf32>
    %swap3A = arith.constant 0 : index
    %swap3A_87 = arith.constant 0 : index
    %swap3A_88 = vector.load %arg5[%swap3A, %swap3A_87] : memref<1024x1024xf32, #tpu.memory_space<vmem>>, vector<1024x1024xf32>
    tpu.vector_store %arg5[%swap3A, %swap3A_87], %div3A_86 {strides = array<i32>} : memref<1024x1024xf32, #tpu.memory_space<vmem>>, vector<1024x1024xf32>,
    return
  }
  func.func @transform_0(%arg0: i32) -> (i32, i32) {
    %c0_i32 = arith.constant 0 : i32
    %c0_i32_0 = arith.constant 0 : i32
    return %arg0, %c0_i32 : i32, i32
  }
  func.func @transform_1(%arg0: i32) -> (i32, i32, i32) {
    %c0_i32 = arith.constant 0 : i32
    %c0_i32_0 = arith.constant 0 : i32
    %c0_i32_1 = arith.constant 0 : i32
    %c0_i32_2 = arith.constant 0 : i32
    return %c0_i32, %c0_i32_0, %c0_i32_1 : i32, i32, i32
  }
  func.func @transform_2(%arg0: i32) -> (i32, i32) {
    %c0_i32 = arith.constant 0 : i32
    %c0_i32_0 = arith.constant 0 : i32
    %c0_i32_1 = arith.constant 0 : i32
    return %c0_i32, %c0_i32_0 : i32, i32
  }
  func.func @transform_3(%arg0: i32) -> (i32, i32) {
    %c0_i32 = arith.constant 0 : i32
    %c0_i32_0 = arith.constant 0 : i32
    %c0_i32_1 = arith.constant 0 : i32
    return %c0_i32, %c0_i32_0 : i32, i32
  }
  func.func @transform_4(%arg0: i32) -> (i32, i32) {
    %c0_i32 = arith.constant 0 : i32
    %c0_i32_0 = arith.constant 0 : i32
    return %arg0, %c0_i32 : i32, i32
  }
}

</mosaic_0001>

<sc_bundles>
// kernel: kernel.4.cloned.1.call-start
scs
__scs_entry_jumppad:
0x0: {  	(pc) =	sbr.rel $0x88, $3  }
0x1: {  	(tag) =	ssettag $0x0;
	lr =	simm.s32 $0x1  }
0x2: {  	[smem:$0x3F9B] =	sst lr;
	_ =	strace $0xD0000000  }
0x3: {  	_ = 	snop  }
0x4: {  	_ = 	snop  }
0x5: {  	_ = 	snop  }
0x6: {  	_ = 	snop  }
0x7: {  	_ = 	snop  }
__scs_overlays_trampoline_lowered:
0x8: {  	[smem:$0x3FAA] =	sst s0  }
0x9: {  	[smem:$0x3FAB] =	sst s1  }
0xa: {  	[smem:$0x3FAC] =	sst s2  }
0xb: {  	[smem:$0x3FAD] =	sst s3  }
0xc: {  	[smem:$0x3FAE] =	sst s4  }
0xd: {  	[smem:$0x3FAF] =	sst s5  }
0xe: {  	[smem:$0x3FB0] =	sst s6  }
0xf: {  	[smem:$0x3FB1] =	sst s7  }
0x10: {  	[smem:$0x3FB2] =	sst s8  }
0x11: {  	[smem:$0x3FB3] =	sst s9;
	s0 =	simm.s32 @!p0 $0x0  }
0x12: {  	s1 =	sld [smem:$0x3F99];
	s0 =	simm.s32 @p0 $0x1  }
0x13: {  	[smem:$0x3FB4] =	sst s0;
	s0 =	simm.s32 @!p1 $0x0  }
0x14: {  	s2 =	sld [smem:$0x3F98];
	s0 =	simm.s32 @p1 $0x1  }
0x15: {  	[smem:$0x3FB5] =	sst s0;
	s0 =	simm.s32 @!p2 $0x0  }
0x16: {  	s3 =	sld [smem:$0x3FDB];
	s0 =	simm.s32 @p2 $0x1  }
0x17: {  	s4 =	simm.s32 $0x1BF5;
	[smem:$0x3FB7] =	sst s0  }
0x18: {  	s0 =	sld [smem:$0x3F9A];
	_ =	swait.ge [sflag:s4], $0x0  }
0x19: {  	s7 =	sld [smem:$0x3F9B]  }
0x1a: {  	s8 =	sadd.s32 $0xFFFFE003, lr  }
0x1b: {  	s9 =	sadd.s32 $0xFFFFFEF7, lr;
	s5 =	simm.s32 $0xFFFFFFFF;
	p2 =	slt.u32 s8, $0xFFFFF086  }
0x1c: {  	p1 =	slt.u32 s9, $0xF7A;
	s5 =	simm.s32 @!p2 $0x0  }
0x1d: {  	s5 =	simm.s32 @p1 $0x1;
	p0 =	seq.s32 s7, s2  }
0x1e: {  	s7 =	smul.u32 @!p0 $0xF7A, s2;
	p2 =	seq.s32 @!p0 s5, $0x0  }
0x1f: {  	s9 =	smul.u32 $0xF7A, s1;
	s8 =	simm.s32 @!p0 $0x1BF5;
	p2 =	por !p2, p0  }
0x20: {  	[sflag:s8] =	ssyncset.s32 @!p0 $0xFFFFF086;
	s6 =	sadd.s32 @!p0 s3, s7;
	s7 =	simm.s32 @!p0 $0x108  }
0x21: {  	s3 =	sadd.s32 s3, s9;
	s6 =	sadd.s32 @!p0 $0x88, s6;
	s7 =	simm.s32 @p2 $0x1082  }
0x22: {  	[simem:s7], [sflag:s8] =	dma.local @!p0 [hbm:s6], $0xF7A  }
0x23: {  	s9 =	sor.u32 $0xD0000000, s2;
	s6 =	simm.s32 $0x108;
	_ =	swait.ge @!p0 [sflag:s8], $0x0  }
0x24: {  	s3 =	sadd.s32 $0x88, s3;
	s6 =	simm.s32 @!p1 $0x1082;
	[sflag:s4] =	ssyncset.s32 $0xFFFFF086  }
0x25: {  	[simem:s6], [sflag:s4] =	dma.local [hbm:s3], $0xF7A  }
0x26: {  	[smem:$0x3F9B] =	sst s1;
	(tag) =	ssettag s2;
	_ =	strace s9  }
0x27: {  	s1 =	sld [smem:$0x3FAB]  }
0x28: {  	s2 =	sld [smem:$0x3FAC]  }
0x29: {  	s4 =	sld [smem:$0x3FAE]  }
0x2a: {  	p0 =	seq.s32 s5, $0x0;
	s5 =	sld [smem:$0x3FAF]  }
0x2b: {  	s6 =	sld [smem:$0x3FB0]  }
0x2c: {  	s7 =	sld [smem:$0x3FB1]  }
0x2d: {  	s3 =	simm.s32 $0x108;
	s8 =	sld [smem:$0x3FB2]  }
0x2e: {  	s3 =	simm.s32 @!p0 $0x1082;
	s9 =	sld [smem:$0x3FB3]  }
0x2f: {  	lr =	sadd.s32 s0, s3;
	s0 =	sld [smem:$0x3FAA]  }
0x30: {  	s3 =	sld [smem:$0x3FAD]  }
0x31: {  	[smem:$0x3FB6] =	sst s10  }
0x32: {  	s10 =	sld [smem:$0x3FB4];
	_ =	sdelay $0x3  }
0x33: {  	p0 =	seq.s32 s10, $0x1;
	s10 =	sld [smem:$0x3FB6];
	_ =	sdelay $0x3  }
0x34: {  	[smem:$0x3FB6] =	sst s10  }
0x35: {  	s10 =	sld [smem:$0x3FB5];
	_ =	sdelay $0x3  }
0x36: {  	p1 =	seq.s32 s10, $0x1;
	s10 =	sld [smem:$0x3FB6];
	_ =	sdelay $0x3  }
0x37: {  	[smem:$0x3FB6] =	sst s10  }
0x38: {  	s10 =	sld [smem:$0x3FB7]  }
0x39: {  	_ = 	snop;
	(pc) =	sbr.ind lr, $3  }
0x3a: {  	_ = 	snop  }
0x3b: {  	_ = 	snop  }
0x3c: {  	p2 =	seq.s32 s10, $0x1;
	s10 =	sld [smem:$0x3FB6]  }
0x3d: {  	_ =	shalt  }
0x3e: {  	_ =	shalt  }
0x3f: {  	_ =	shalt  }
0x40: {  	_ =	shalt  }
0x41: {  	_ =	shalt  }
0x42: {  	_ =	shalt  }
0x43: {  	_ =	shalt  }
0x44: {  	_ =	shalt  }
0x45: {  	_ =	shalt  }
0x46: {  	_ =	shalt  }
0x47: {  	_ =	shalt  }
0x48: {  	_ =	shalt  }
0x49: {  	_ =	shalt  }
0x4a: {  	_ =	shalt  }
0x4b: {  	_ =	shalt  }
0x4c: {  	_ =	shalt  }
0x4d: {  	_ =	shalt  }
0x4e: {  	_ =	shalt  }
0x4f: {  	_ =	shalt  }
0x50: {  	_ =	shalt  }
0x51: {  	_ =	shalt  }
0x52: {  	_ =	shalt  }
0x53: {  	_ =	shalt  }
0x54: {  	_ =	shalt  }
0x55: {  	_ =	shalt  }
0x56: {  	_ =	shalt  }
0x57: {  	_ =	shalt  }
0x58: {  	_ =	shalt  }
0x59: {  	_ =	shalt  }
0x5a: {  	_ =	shalt  }
0x5b: {  	_ =	shalt  }
0x5c: {  	_ =	shalt  }
0x5d: {  	_ =	shalt  }
0x5e: {  	_ =	shalt  }
0x5f: {  	_ =	shalt  }
0x60: {  	_ =	shalt  }
0x61: {  	_ =	shalt  }
0x62: {  	_ =	shalt  }
0x63: {  	_ =	shalt  }
0x64: {  	_ =	shalt  }
0x65: {  	_ =	shalt  }
0x66: {  	_ =	shalt  }
0x67: {  	_ =	shalt  }
0x68: {  	_ =	shalt  }
0x69: {  	_ =	shalt  }
0x6a: {  	_ =	shalt  }
0x6b: {  	_ =	shalt  }
0x6c: {  	_ =	shalt  }
0x6d: {  	_ =	shalt  }
0x6e: {  	_ =	shalt  }
0x6f: {  	_ =	shalt  }
0x70: {  	_ =	shalt  }
0x71: {  	_ =	shalt  }
0x72: {  	_ =	shalt  }
0x73: {  	_ =	shalt  }
0x74: {  	_ =	shalt  }
0x75: {  	_ =	shalt  }
0x76: {  	_ =	shalt  }
0x77: {  	_ =	shalt  }
0x78: {  	_ =	shalt  }
0x79: {  	_ =	shalt  }
0x7a: {  	_ =	shalt  }
0x7b: {  	_ =	shalt  }
0x7c: {  	_ =	shalt  }
0x7d: {  	_ =	shalt  }
0x7e: {  	_ =	shalt  }
0x7f: {  	_ =	shalt  }
0x80: {  	_ =	shalt  }
0x81: {  	_ =	shalt  }
0x82: {  	_ =	shalt  }
0x83: {  	_ =	shalt  }
0x84: {  	_ =	shalt  }
0x85: {  	_ =	shalt  }
0x86: {  	_ =	shalt  }
0x87: {  	_ =	shalt  }
.Lfunc_end0:
.L_simem_size_0:
called_computation_lowered:
.L_overlay_start_0:
0x88: {  	s2 =	sld [smem:$0x3FD9]  }
0x89: {  	s3 =	sld [smem:$0x3FFE];
	_ =	sdelay $0x1  }
0x8a: {  	s1 =	srdreg.scid  }
0x8b: {  	s0 =	sand.u32 $0x1, s1  }
0x8c: {  	s16 =	sshll.u32 s0, $0xA;
	s2 =	sadd.s32 s3, s2  }
0x8d: {  	s2 =	sadd.s32 s2, s16  }
0x8e: {  	[smem:$0x3FC2] =	sst s2  }
0x8f: {  	_ = 	snop  }
0x90: {  	(tm) =	ssettm $0x1  }
0x91: {  	s17 =	sld [smem:$0x3FFB];
	_ =	sdelay $0x3  }
0x92: {  	_ =	strace s17  }
0x93: {  	s2 =	sld [smem:$0x3FFC];
	_ =	sdelay $0x3  }
0x94: {  	_ =	strace s2  }
0x95: {  	s2 =	sld [smem:$0x3FFD];
	_ =	sdelay $0x3  }
0x96: {  	_ =	strace s2  }
0x97: {  	_ =	strace $0x8FFFFFFF  }
0x98: {  	s18 =	sld [smem:$0x3FDB];
	_ =	sdelay $0x1  }
0x99: {  	s19 =	simm.s32 $_scs_section_size  }
0x9a: {  	s4 =	simm.s32 $_size__tile_overlayer_lowered;
	s5 =	simm.s32 $_tile_overlayer_lowered  }
0x9b: {  	s22 =	simm.s32 $0x1BFF;
	s21 =	sshll.u32 s5, $0x1;
	s2 =	sadd.s32 s19, s18  }
0x9c: {  	s6 =	simm.s32 $0x0;
	s20 =	sshll.u32 s4, $0x1;
	s4 =	sadd.s32 s21, s2  }
0x9d: {  	[timem:s6], [sflag:s22] =	dma.local [hbm:s4], s20  }
0x9e: {  	_ =	swait.ge [sflag:s22], s20  }
0x9f: {  	s3 =	ssub.s32 $0x0, s20;
	[sflag:s22] =	ssyncset.done $0x0  }
0xa0: {  	[sflag:s22] =	ssyncadd.s32 s3;
	_ =	sdelay $0x1  }
0xa1: {  	s23 =	simm.s32 $0x1B8B  }
0xa2: {  	_ =	swait.ge [sflag:s23], $0x1  }
0xa3: {  	[sflag:s23] =	ssyncset.done $0x0  }
0xa4: {  	s25 =	simm.s32 $0x1B8E;
	s24 =	sld [smem:$0x3FFE];
	[sflag:s23] =	ssyncadd.s32 $0xFFFFFFFF  }
0xa5: {  	s26 =	simm.s32 $execute0_lowered;
	[smem:$0x3FD2] =	sst s25  }
0xa6: {  	s4 =	sshll.u32 s26, $0x1;
	_ =	strace $0x80000046;
	[dreg:$0x1] =	wrdreg $0xFFFFFFFF  }
0xa7: {  	s28 =	simm.s32 $_size_execute0_lowered;
	s2 =	sadd.s32 s2, s4;
	[dreg:$0x0] =	wrdreg $0x0  }
0xa8: {  	s4 =	sshll.u32 s28, $0x1;
	[dreg:$0x2] =	wrdreg s2  }
0xa9: {  	[dreg:$0x3] =	wrdreg s4  }
0xaa: {  	[dreg:$0x4] =	wrdreg $0xC0  }
0xab: {  	_ =	task [dreg:s6], $0x5FFFF  }
0xac: {  	[dreg:$0x1] =	wrdreg $0xFFFFFFFF  }
0xad: {  	[dreg:$0x0] =	wrdreg $0x60  }
0xae: {  	[dreg:$0x2] =	wrdreg s24  }
0xaf: {  	[dreg:$0x3] =	wrdreg $0x9  }
0xb0: {  	_ =	task.clear_ibuf [dreg:s6], $0x4FFFF;
	_ =	strace $0x90000046  }
0xb1: {  	s29 =	simm.s32 $0x9;
	_ =	strace $0x80000048  }
0xb2: {  	_ =	swait.ge [sflag:s29], $0x1  }
0xb3: {  	[sflag:s29] =	ssyncadd.s32 $0xFFFFFFFF  }
0xb4: {  	_ =	strace $0x90000048  }
0xb5: {  	_ =	sfence  }
0xb6: {  	s30 =	sld [smem:$0x0];
	_ =	sdelay $0x2  }
0xb7: {  	s31 =	sshll.u32 s1, $0xD;
	s1 =	sshrl.u32 s1, $0x2  }
0xb8: {  	s3 =	sand.u32 $0x4000, s31;
	s1 =	sadd.s32 s1, s30  }
0xb9: {  	s0 =	sor.u32 s3, s0;
	s1 =	sshll.u32 s1, $0x11  }
0xba: {  	s0 =	sor.u32 s1, s0  }
0xbb: {  	s0 =	sadd.s32 $0x8F2B, s0  }
0xbc: {  	[sflag:s0] =	ssyncadd.remote.s32 $0x1  }
0xbd: {  	_ =	sfence.sel $0xFFFF  }
0xbe: {  	[dreg:$0x0] =	wrdreg $0xFFFFFFFF;
	(pc) =	sbr.abs _section_cstart, $3  }
0xbf: {  	[dreg:$0x1] =	wrdreg $0xFFFFFFFF  }
0xc0: {  	_ =	task.clear_ibuf [dreg:s6], $0x2FFFF;
	_ =	strace $0x9FFFFFFF  }
0xc1: {  	(tm) =	ssettm $0x7FFFFFFF  }
tec
execute0_lowered:
.L_overlay_start_1:
0x0: {  	(tag) =	ssettag $0x1  }
0x1: {  	s1 =	rddreg [dreg:$0x0];
	s2 =	simm.s32 $0x0  }
0x2: {  	s3 =	srdreg.scid;
	s13 =	simm.s32 $0x1800;
	s14 =	simm.s32 $0x2400  }
0x3: {  	s15 =	simm.s32 $0x3000;
	s16 =	simm.s32 $0xB000;
	s17 =	simm.s32 $0x0  }
0x4: {  	[smem:$0x7FF] =	sst s2;
	s4 =	sadd.s32 $0x800, s1;
	s5 =	sadd.s32 $0x200, s1  }
0x5: {  	s9 =	sand.u32 $0x1, s3;
	s6 =	sadd.s32 $0x400, s1;
	s3 =	stileid.u32  }
0x6: {  	s7 =	sadd.s32 $0x600, s1;
	s8 =	sadd.s32 $0xE0800, s1;
	s10 =	ssub.s32 $0x2, s9  }
0x7: {  	_ =	strace $0x80000047;
	s12 =	sshll.u32 s3, $0x1;
	s11 =	sshrl.u32 s10, $0x1  }
0x8: {  	s9 =	sor.u32 s9, s12;
	s12 =	simm.s32 $0xC00;
	s10 =	ssub.s32 s10, s11  }
0x9: {  	s9 =	smul.u32 $0x38000, s9;
	s11 =	simm.s32 $0x1;
	s10 =	smax.u32 s10, $0x1  }
.LBB2_1:
0xa: {  	[tilespmem:s2], [sflag:$0x1] =	stream.linear.gather [hbm4b:s5+s2], $0xC00, $0x38;
	[tilespmem:$0x13000] =	vst v63  }
0xb: {  	_ =	swait.ge [sflag:s11], $0xC00  }
0xc: {  	[sflag:s11] =	ssyncset.done $0x0  }
0xd: {  	[sflag:s11] =	ssyncadd.s32 $0xFFFFF400  }
0xe: {  	[tilespmem:s12], [sflag:$0x1] =	stream.linear.gather [hbm4b:s6+s2], $0xC00, $0x38;
	[tilespmem:$0x13000] =	vst v63  }
0xf: {  	_ =	swait.ge [sflag:s11], $0xC00  }
0x10: {  	[sflag:s11] =	ssyncset.done $0x0  }
0x11: {  	[sflag:s11] =	ssyncadd.s32 $0xFFFFF400  }
0x12: {  	[tilespmem:s13], [sflag:$0x1] =	stream.linear.gather [hbm4b:s7+s2], $0xC00, $0x38;
	[tilespmem:$0x13000] =	vst v63  }
0x13: {  	_ =	swait.ge [sflag:s11], $0xC00  }
0x14: {  	[sflag:s11] =	ssyncset.done $0x0  }
0x15: {  	[sflag:s11] =	ssyncadd.s32 $0xFFFFF400  }
0x16: {  	[tilespmem:s14], [sflag:$0x1] =	stream.linear.gather [hbm4b:s1+s2], $0xC00, $0x38;
	[tilespmem:$0x13000] =	vst v63  }
0x17: {  	_ =	swait.ge [sflag:s11], $0xC00  }
0x18: {  	[sflag:s11] =	ssyncset.done $0x0  }
0x19: {  	s18 =	simm.s32 $0x0;
	[sflag:s11] =	ssyncadd.s32 $0xFFFFF400  }
.LBB2_2:
0x1a: {  	s19 =	sshll.u32 s18, $0xF  }
0x1b: {  	s19 =	sadd.s32 s9, s19  }
0x1c: {  	s19 =	sshrl.u32 s19, $0x3  }
0x1d: {  	s20 =	simm.s32 $0x0;
	s21 =	sadd.s32 s4, s19  }
0x1e: {  	[tilespmem:s15], [sflag:$0x1] =	stream.linear.gather [hbm4b:s21+s20], $0x8000, $0x38;
	[tilespmem:$0x13000] =	vst v63  }
0x1f: {  	_ =	swait.ge [sflag:s11], $0x8000  }
0x20: {  	[sflag:s11] =	ssyncset.done $0x0  }
0x21: {  	s22 =	simm.s32 $0xC000;
	s21 =	simm.s32 $0x4000;
	[sflag:s11] =	ssyncadd.s32 $0xFFFF8000  }
.LBB2_3:
0x22: {  	s23 =	sshll.u32 s20, $0x4  }
0x23: {  	v3 =	vld [tilespmem:s23+$0x0];
	_ =	sdelay $0x1  }
0x24: {  	v2 =	vld [tilespmem:s21+$0xFFFFFC00]  }
0x25: {  	v8 =	vld [tilespmem:s21+$0xC00]  }
0x26: {  	s24 =	simm.s32 $0x0;
	v10 =	vld [tilespmem:s21+$0xFFFFF000]  }
0x27: {  	s29 =	simm.s32 $0x1000;
	v14 =	vld [tilespmem:s21+$0x0];
	v1 =	vadd.s32 s24, v3  }
0x28: {  	s30 =	simm.s32 $0x400;
	v15 =	vld [tilespmem:s21+$0xFFFFF400];
	v6 =	vadd.s32 s29, v3  }
0x29: {  	s26 =	simm.s32 $0xC00;
	v4 =	vld [tilespmem:s23+$0xC00];
	v7 =	vadd.s32 s30, v3  }
0x2a: {  	s25 =	simm.s32 $0x800;
	v5 =	vld [tilespmem:s23+$0x1800];
	v16 =	vadd.s32 s26, v3  }
0x2b: {  	s31 =	simm.s32 $0x1400;
	v0 =	vld [tilespmem:s23+$0x2400];
	v13 =	vadd.s32 s25, v3  }
0x2c: {  	v11 =	vadd.s32 s31, v3;
	v1 =	vld.idx.msk [tilespmem:v1+s15+$0x0], $0xffff  }
0x2d: {  	s0 =	simm.s32 $0x1800;
	v6 =	vld.idx.msk [tilespmem:v6+s15+$0x0], $0xffff  }
0x2e: {  	v12 =	vadd.s32 s0, v3;
	v7 =	vld.idx.msk [tilespmem:v7+s15+$0x0], $0xffff  }
0x2f: {  	v20 =	vmul.f32 v8, v4;
	v8 =	vld.idx.msk [tilespmem:v16+s15+$0x0], $0xffff  }
0x30: {  	v13 =	vld.idx.msk [tilespmem:v13+s15+$0x0], $0xffff  }
0x31: {  	s29 =	simm.s32 $0x1C00;
	v10 =	vmul.f32 v10, v4;
	v14 =	vmul.f32 v14, v4;
	v11 =	vld.idx.msk [tilespmem:v11+s15+$0x0], $0xffff  }
0x32: {  	v9 =	vld [tilespmem:s21+$0xFFFFF800];
	v19 =	vmul.f32 v2, v4;
	v18 =	vadd.s32 s29, v3;
	v1 =	vmul.f32 v1, v5  }
0x33: {  	v12 =	vld.idx.msk [tilespmem:v12+s15+$0x0], $0xffff;
	v6 =	vmul.f32 v6, v5;
	v7 =	vmul.f32 v7, v5  }
0x34: {  	v17 =	vld [tilespmem:s21+$0x400];
	v15 =	vmul.f32 v15, v4;
	v8 =	vmul.f32 v8, v5;
	v1 =	vadd.f32 v1, v0  }
0x35: {  	v13 =	vmul.f32 v13, v5;
	v6 =	vadd.f32 v6, v0;
	v7 =	vadd.f32 v7, v0  }
0x36: {  	v11 =	vmul.f32 v11, v5;
	v8 =	vadd.f32 v8, v0;
	v1 =	vadd.f32 v1, v10  }
0x37: {  	v2 =	vadd.f32 v6, v14;
	v6 =	vmul.f32 v9, v4;
	v21 =	vadd.f32 v7, v15;
	v9 =	vld.idx.msk [tilespmem:v18+s15+$0x0], $0xffff  }
0x38: {  	v13 =	vadd.f32 v13, v0;
	v7 =	vmul.f32 v12, v5;
	v12 =	vsub.f32 $0.0e+00, v1  }
0x39: {  	s23 =	sadd.s32 $0x2000, s21;
	v11 =	vadd.f32 v11, v0;
	v10 =	vmul.f32 v17, v4;
	v15 =	vsub.f32 $0.0e+00, v21  }
0x3a: {  	v24 =	vld [tilespmem:s23+$0x400];
	s0 =	simm.s32 $0x2400;
	v14 =	vsub.f32 $0.0e+00, v2;
	v17 =	vadd.f32 v7, v0;
	v12 =	vmul.f32 $1.442695020e+00, v12  }
0x3b: {  	s30 =	simm.s32 $0x2000;
	v16 =	vld [tilespmem:s21+$0x800];
	v6 =	vadd.f32 v13, v6;
	v13 =	vadd.s32 s0, v3;
	v15 =	vmul.f32 $1.442695020e+00, v15  }
0x3c: {  	s31 =	simm.s32 $0x3000;
	v7 =	vmul.f32 v9, v5;
	v9 =	vld [tilespmem:s23+$0xFFFFFC00];
	(erf) = vpow2.f32 v12;
	v12 =	vadd.s32 s30, v3  }
0x3d: {  	s25 =	simm.s32 $0x2800;
	v18 =	vadd.s32 s31, v3;
	v14 =	vmul.f32 $1.442695020e+00, v14;
	(erf) = vpow2.f32 v15;
	v15 =	vld [tilespmem:s23+$0xC00]  }
0x3e: {  	v23 =	vadd.s32 s25, v3;
	v8 =	vadd.f32 v8, v19;
	v19 =	vld [tilespmem:s23+$0x800]  }
0x3f: {  	v22 =	vadd.f32 v7, v0;
	v7 =	vadd.f32 v11, v10;
	v10 =	vld [tilespmem:s23+$0xFFFFF000];
	(erf) = vpow2.f32 v14  }
0x40: {  	s26 =	simm.s32 $0x3800;
	v16 =	vmul.f32 v16, v4;
	v27 =	vsub.f32 $0.0e+00, v8;
	v25 =	vsub.f32 $0.0e+00, v6;
	v13 =	vld.idx.msk [tilespmem:v13+s15+$0x0], $0xffff  }
0x41: {  	s29 =	simm.s32 $0x3400;
	v14 =	vadd.s32 s26, v3;
	v26 =	vsub.f32 $0.0e+00, v7;
	v31 =	vmul.f32 v9, v4;
	v12 =	vld.idx.msk [tilespmem:v12+s15+$0x0], $0xffff  }
0x42: {  	v9 =	vadd.f32 v17, v16;
	v16 =	vadd.s32 s29, v3;
	v11 =	vmul.f32 v15, v4;
	v15 =	vld.idx.msk [tilespmem:v18+s15+$0x0], $0xffff  }
0x43: {  	v27 =	vmul.f32 $1.442695020e+00, v27;
	s30 =	simm.s32 $0x2C00;
	v18 =	vmul.f32 $1.442695020e+00, v25;
	v25 =	vld [tilespmem:s23+$0x0]  }
0x44: {  	v32 =	vadd.s32 s30, v3;
	v29 =	vmul.f32 $1.442695020e+00, v26;
	v26 =	vld [tilespmem:s23+$0xFFFFF800];
	v28 =	vsub.f32 $0.0e+00, v9  }
0x45: {  	s31 =	simm.s32 $0x3C00;
	v30 =	vmul.f32 v10, v4;
	v10 =	vadd.f32 v22, v20;
	v22 =	vld.idx.msk [tilespmem:v23+s15+$0x0], $0xffff;
	v13 =	vmul.f32 v13, v5;
	v17 =	vpop (erf)  }
0x46: {  	v23 =	vadd.s32 s31, v3;
	v33 =	vpop (erf);
	(erf) = vpow2.f32 v18;
	v12 =	vmul.f32 v12, v5;
	v18 =	vld.idx.msk [tilespmem:v14+s15+$0x0], $0xffff  }
0x47: {  	v14 =	vadd.f32 $1.000000000e+00, v33;
	v20 =	vmul.f32 v15, v5;
	(erf) = vpow2.f32 v27;
	v27 =	vld.idx.msk [tilespmem:v16+s15+$0x0], $0xffff  }
0x48: {  	v15 =	vmul.f32 v24, v4;
	v16 =	vpop (erf);
	v24 =	vmul.f32 v25, v4;
	v25 =	vld [tilespmem:s23+$0xFFFFF400];
	v12 =	vadd.f32 v12, v0  }
0x49: {  	v28 =	vmul.f32 $1.442695020e+00, v28;
	v13 =	vadd.f32 v13, v0;
	v60 =	vadd.f32 $1.000000000e+00, v16  }
0x4a: {  	v16 =	vmul.f32 v19, v4;
	v19 =	vld.idx.msk [tilespmem:v32+s15+$0x0], $0xffff;
	(erf) = vrcp.f32 v14;
	v14 =	vadd.f32 v12, v30  }
0x4b: {  	v22 =	vmul.f32 v22, v5;
	v34 =	vadd.f32 v20, v0;
	(erf) = vrcp.f32 v60;
	v30 =	vld.idx.msk [tilespmem:v23+s15+$0x0], $0xffff  }
0x4c: {  	v20 =	vmul.f32 v26, v4;
	v18 =	vmul.f32 v18, v5;
	v23 =	vsub.f32 $0.0e+00, v14  }
0x4d: {  	v12 =	vadd.f32 v34, v24;
	(erf) = vpow2.f32 v28;
	v61 =	vmul.f32 v25, v4  }
0x4e: {  	v24 =	vsub.f32 $0.0e+00, v10;
	v28 =	vadd.f32 v22, v0;
	v62 =	vmul.f32 $1.442695020e+00, v23  }
0x4f: {  	v23 =	vadd.f32 v18, v0;
	v13 =	vadd.f32 v13, v61;
	v18 =	vmul.f32 v19, v5;
	v25 =	vpop (erf)  }
0x50: {  	v26 =	vmul.f32 v27, v5;
	v27 =	vsub.f32 $0.0e+00, v12;
	v22 =	vmul.f32 v30, v5;
	v19 =	vpop (erf)  }
0x51: {  	(erf) = vpow2.f32 v29;
	v30 =	vsub.f32 $0.0e+00, v13;
	v19 =	vadd.f32 $1.000000000e+00, v19  }
0x52: {  	v27 =	vmul.f32 $1.442695020e+00, v27;
	v29 =	vmul.f32 $1.442695020e+00, v24;
	v63 =	vadd.f32 v18, v0  }
0x53: {  	s28 =	sadd.s32 $0x2000, s23;
	s24 =	smov.u32 s22;
	v22 =	vadd.f32 v22, v0;
	v18 =	vpop (erf);
	v30 =	vmul.f32 $1.442695020e+00, v30;
	(erf) = vrcp.f32 v19  }
0x54: {  	s25 =	simm.s32 $0x8;
	s26 =	simm.s32 $0x5C00;
	s23 =	sadd.s32 $0x2000, s22;
	v21 =	vmul.f32 v18, v21;
	v18 =	vpop (erf);
	v19 =	vadd.f32 v63, v31;
	(erf) = vpow2.f32 v62  }
.LBB2_4:
0x55: {  	s29 =	sadd.s32 $0xFFFFE400, s26;
	s30 =	sadd.s32 $0xFFFFE800, s26;
	s31 =	sadd.s32 $0xFFFFEC00, s26;
	v24 =	vld [tilespmem:s28+$0xFFFFFC00];
	v26 =	vadd.f32 v26, v0;
	v17 =	vadd.f32 $1.000000000e+00, v17;
	(erf) = vpow2.f32 v29  }
0x56: {  	s0 =	sadd.s32 $0xFFFFF800, s26;
	v29 =	vadd.s32 s29, v3;
	v31 =	vadd.s32 s30, v3;
	s29 =	sadd.s32 $0xFFFFF000, s26;
	s30 =	sadd.s32 $0xFFFFF400, s26;
	v32 =	vld [tilespmem:s28+$0xC00];
	(erf) = vpow2.f32 v30;
	v30 =	vpop (erf)  }
0x57: {  	s25 =	sadd.s32 $0x8, s25;
	v28 =	vadd.f32 v28, v20;
	v33 =	vadd.s32 s29, v3;
	v34 =	vadd.s32 s30, v3;
	s29 =	sadd.s32 $0xFFFFFC00, s26;
	v35 =	vld [tilespmem:s28+$0x800]  }
0x58: {  	v25 =	vadd.f32 $1.000000000e+00, v25;
	v36 =	vadd.s32 s0, v3;
	p0 =	slt.u32 s25, $0x18;
	v20 =	vld [tilespmem:s28+$0xFFFFF800];
	v37 =	vadd.s32 s29, v3  }
0x59: {  	v38 =	vadd.s32 s31, v3;
	v40 =	vadd.f32 v26, v15;
	v39 =	vld [tilespmem:s28+$0x400];
	(erf) = vrcp.f32 v17  }
0x5a: {  	v43 =	vsub.f32 $0.0e+00, v28;
	v26 =	vsub.f32 $0.0e+00, v19;
	v15 =	vld [tilespmem:s28+$0xFFFFF000];
	v24 =	vmul.f32 v24, v4;
	v41 =	vpop (erf)  }
0x5b: {  	v42 =	vsub.f32 $0.0e+00, v40;
	v29 =	vld.idx.msk [tilespmem:v29+s15+$0x0], $0xffff;
	v32 =	vmul.f32 v32, v4;
	(erf) = vpow2.f32 v27  }
0x5c: {  	v23 =	vadd.f32 v23, v16;
	v44 =	vadd.f32 $1.000000000e+00, v30;
	v27 =	vld.idx.msk [tilespmem:v31+s15+$0x0], $0xffff;
	v31 =	vmul.f32 $1.442695020e+00, v43;
	v30 =	vpop (erf)  }
0x5d: {  	v42 =	vmul.f32 $1.442695020e+00, v42;
	v41 =	vadd.f32 $1.000000000e+00, v41;
	v34 =	vld.idx.msk [tilespmem:v34+s15+$0x0], $0xffff;
	v17 =	vpop (erf);
	(erf) = vrcp.f32 v25  }
0x5e: {  	v25 =	vmul.f32 $1.442695020e+00, v26;
	v26 =	vsub.f32 $0.0e+00, v23;
	v36 =	vld.idx.msk [tilespmem:v36+s15+$0x0], $0xffff;
	(erf) = vrcp.f32 v44;
	v16 =	vpop (erf)  }
0x5f: {  	v44 =	vmul.f32 v30, v8;
	v37 =	vld.idx.msk [tilespmem:v37+s15+$0x0], $0xffff;
	v43 =	vpop (erf);
	v16 =	vadd.f32 $1.000000000e+00, v16;
	(erf) = vrcp.f32 v41  }
0x60: {  	v8 =	vmov v19;
	v41 =	vmul.f32 v15, v4;
	(erf) = vpow2.f32 v31;
	[tilespmem:s24+$0xFFFFF400] =	vst v21  }
0x61: {  	v22 =	vadd.f32 v22, v11;
	v11 =	vmovc v32;
	v19 =	vmul.f32 v29, v5;
	v29 =	vmul.f32 $1.442695020e+00, v26;
	v21 =	vld [tilespmem:s28+$0x0]  }
0x62: {  	v15 =	vmul.f32 v39, v4;
	v26 =	vadd.f32 $1.000000000e+00, v43;
	[tilespmem:s24+$0xFFFFFC00] =	vst v44;
	v30 =	vpop (erf);
	(erf) = vrcp.f32 v16  }
0x63: {  	v20 =	vmul.f32 v20, v4;
	v19 =	vadd.f32 v19, v0;
	v31 =	vld.idx.msk [tilespmem:v38+s15+$0x0], $0xffff;
	v38 =	vmul.f32 v18, v2  }
0x64: {  	v32 =	vsub.f32 $0.0e+00, v22;
	v16 =	vmul.f32 v35, v4;
	v18 =	vadd.s32 s26, v3;
	v35 =	vpop (erf)  }
0x65: {  	v34 =	vmul.f32 v34, v5;
	v2 =	vmovc v12;
	v19 =	vadd.f32 v19, v41;
	(erf) = vpow2.f32 v25;
	[tilespmem:s24+$0x0] =	vst v38  }
0x66: {  	v39 =	vmul.f32 v30, v1;
	v35 =	vadd.f32 $1.000000000e+00, v35;
	v38 =	vld [tilespmem:s28+$0xFFFFF400];
	v12 =	vmul.f32 v21, v4;
	v30 =	vpop (erf)  }
0x67: {  	v41 =	vadd.f32 v34, v0;
	v34 =	vmul.f32 v37, v5;
	(erf) = vrcp.f32 v26;
	v26 =	vpop (erf)  }
0x68: {  	v27 =	vmul.f32 v27, v5;
	v1 =	vmov v14;
	v33 =	vld.idx.msk [tilespmem:v33+s15+$0x0], $0xffff;
	(erf) = vrcp.f32 v35;
	[tilespmem:s24+$0xFFFFF000] =	vst v39;
	v21 =	vpop (erf)  }
0x69: {  	v14 =	vmul.f32 v31, v5;
	v12 =	vadd.f32 v41, v12;
	v31 =	vmul.f32 v26, v9;
	v18 =	vld.idx.msk [tilespmem:v18+s15+$0x0], $0xffff;
	v25 =	vpop (erf)  }
0x6a: {  	v35 =	vsub.f32 $0.0e+00, v19;
	v26 =	vmul.f32 v36, v5;
	v9 =	vmovc v23;
	v21 =	vmul.f32 v21, v7;
	v7 =	vmovc v40  }
0x6b: {  	v23 =	vsub.f32 $0.0e+00, v12;
	v36 =	vmul.f32 v38, v4;
	(erf) = vpow2.f32 v29;
	v29 =	vpop (erf)  }
0x6c: {  	v37 =	vadd.f32 v27, v0;
	v35 =	vmul.f32 $1.442695020e+00, v35;
	[tilespmem:s24+$0x800] =	vst v31;
	v29 =	vmul.f32 v29, v10;
	v10 =	vmovc v22  }
0x6d: {  	v27 =	vmul.f32 $1.442695020e+00, v23;
	v23 =	vadd.f32 v34, v0;
	v22 =	vmul.f32 v30, v6;
	v6 =	vmovc v28;
	[tilespmem:s24+$0x400] =	vst v21  }
.Ltmp0:
0x6e: {  	v28 =	vadd.f32 v14, v0;
	v31 =	vadd.f32 v37, v36;
	v34 =	vmul.f32 v33, v5;
	v14 =	vpop (erf);
	[tilespmem:s24+$0xC00] =	vst v29;
	(pc) =	sbr.rel @p0 .LBB2_4-.Ltmp0, $4  }
0x6f: {  	v36 =	vmul.f32 v18, v5;
	v30 =	vadd.f32 $1.000000000e+00, v14;
	(erf) = vpow2.f32 v42;
	[tilespmem:s24+$0xFFFFF800] =	vst v22;
	v14 =	vmovc v19;
	s24 =	smov.u32 s23  }
0x70: {  	v29 =	vmul.f32 $1.442695020e+00, v32;
	v19 =	vsub.f32 $0.0e+00, v31;
	v33 =	vadd.f32 v34, v0;
	v21 =	vpop (erf)  }
0x71: {  	v22 =	vadd.f32 v36, v0;
	v21 =	vmul.f32 v21, v13;
	(erf) = vrcp.f32 v30;
	v18 =	vpop (erf)  }
0x72: {  	s26 =	sadd.s32 $0x2000, s26;
	s28 =	sadd.s32 $0x2000, s28;
	s23 =	sadd.s32 $0x2000, s23;
	v30 =	vmul.f32 $1.442695020e+00, v19;
	v19 =	vadd.f32 v33, v24;
	v13 =	vmovc v31;
	(erf) = vpow2.f32 v35  }
0x73: {  	(erf) = vpow2.f32 v29;
	_ =	sdelay $0x3  }
0x74: {  	v3 =	vadd.f32 $1.000000000e+00, v17  }
0x75: {  	v5 =	vadd.f32 v28, v20;
	(erf) = vpow2.f32 v30;
	v4 =	vpop (erf)  }
0x76: {  	v54 =	vadd.f32 $1.000000000e+00, v25;
	(erf) = vrcp.f32 v3;
	v55 =	vpop (erf)  }
0x77: {  	v20 =	vsub.f32 $0.0e+00, v5;
	v4 =	vadd.f32 $1.000000000e+00, v4;
	(erf) = vpow2.f32 v27;
	v24 =	vpop (erf)  }
0x78: {  	v3 =	vadd.f32 $1.000000000e+00, v55;
	(erf) = vrcp.f32 v54;
	v56 =	vpop (erf)  }
0x79: {  	v57 =	vsub.f32 $0.0e+00, v19;
	v20 =	vmul.f32 $1.442695020e+00, v20;
	(erf) = vrcp.f32 v4;
	v58 =	vpop (erf)  }
0x7a: {  	(erf) = vrcp.f32 v3;
	v4 =	vadd.f32 $1.000000000e+00, v58  }
0x7b: {  	v59 =	vmul.f32 $1.442695020e+00, v57;
	(erf) = vpow2.f32 v20  }
0x7c: {  	(erf) = vrcp.f32 v4  }
0x7d: {  	(erf) = vpow2.f32 v59  }
0x7e: {  	v60 =	vpop (erf)  }
0x7f: {  	v61 =	vpop (erf)  }
0x80: {  	v0 =	vadd.f32 v26, v0;
	v62 =	vpop (erf)  }
0x81: {  	v63 =	vadd.f32 v23, v16;
	v32 =	vpop (erf)  }
0x82: {  	v11 =	vadd.f32 v22, v11;
	v0 =	vadd.f32 v0, v15;
	v34 =	vpop (erf)  }
0x83: {  	v35 =	vsub.f32 $0.0e+00, v63;
	v3 =	vadd.f32 $1.000000000e+00, v60;
	v36 =	vpop (erf)  }
0x84: {  	v33 =	vsub.f32 $0.0e+00, v0;
	v17 =	vadd.f32 $1.000000000e+00, v62;
	v37 =	vpop (erf)  }
0x85: {  	v26 =	vmul.f32 $1.442695020e+00, v35;
	(erf) = vrcp.f32 v3;
	v38 =	vpop (erf)  }
0x86: {  	v39 =	vsub.f32 $0.0e+00, v11;
	v20 =	vmul.f32 $1.442695020e+00, v33;
	(erf) = vrcp.f32 v17;
	v40 =	vpop (erf)  }
0x87: {  	(erf) = vpow2.f32 v26;
	v17 =	vadd.f32 $1.000000000e+00, v40  }
0x88: {  	v41 =	vmul.f32 $1.442695020e+00, v39;
	(erf) = vpow2.f32 v20  }
0x89: {  	(erf) = vrcp.f32 v17  }
0x8a: {  	(erf) = vpow2.f32 v41;
	_ =	sdelay $0x3  }
0x8b: {  	v42 =	vpop (erf)  }
0x8c: {  	v25 =	vadd.f32 $1.000000000e+00, v56;
	v43 =	vpop (erf)  }
0x8d: {  	v22 =	vadd.f32 $1.000000000e+00, v37;
	v26 =	vpop (erf)  }
0x8e: {  	(erf) = vrcp.f32 v25;
	v44 =	vpop (erf);
	v45 =	vadd.f32 $1.000000000e+00, v26  }
0x8f: {  	v2 =	vmul.f32 v18, v2;
	(erf) = vrcp.f32 v22;
	v46 =	vpop (erf)  }
0x90: {  	[tilespmem:s24+$0xFFFFF400] =	vst v21;
	v8 =	vmul.f32 v24, v8;
	v47 =	vadd.f32 $1.000000000e+00, v44;
	(erf) = vrcp.f32 v45;
	v48 =	vpop (erf)  }
0x91: {  	[tilespmem:s24+$0x0] =	vst v2;
	v1 =	vmul.f32 v61, v1;
	v49 =	vadd.f32 $1.000000000e+00, v48  }
0x92: {  	[tilespmem:s24+$0xFFFFFC00] =	vst v8;
	v53 =	vmul.f32 v32, v6;
	(erf) = vrcp.f32 v47  }
0x93: {  	[tilespmem:s24+$0xFFFFF000] =	vst v1;
	v50 =	vmul.f32 v34, v9;
	(erf) = vrcp.f32 v49  }
0x94: {  	v51 =	vmul.f32 v36, v7;
	[tilespmem:s24+$0xFFFFF800] =	vst v53  }
0x95: {  	[tilespmem:s24+$0x800] =	vst v50;
	v52 =	vmul.f32 v38, v10  }
0x96: {  	[tilespmem:s24+$0x400] =	vst v51;
	v54 =	vmul.f32 v42, v13  }
0x97: {  	[tilespmem:s24+$0xC00] =	vst v52;
	v57 =	vmul.f32 v43, v12;
	v56 =	vpop (erf)  }
0x98: {  	[tilespmem:s23+$0xFFFFF400] =	vst v54;
	v55 =	vmul.f32 v46, v19;
	v58 =	vpop (erf)  }
0x99: {  	s20 =	sadd.s32 $0x1, s20;
	[tilespmem:s23+$0x0] =	vst v57;
	v59 =	vmul.f32 v56, v14;
	v60 =	vpop (erf)  }
0x9a: {  	p0 =	sne.s32 s20, $0x40;
	[tilespmem:s23+$0xFFFFFC00] =	vst v55;
	v3 =	vmul.f32 v60, v63  }
.Ltmp1:
0x9b: {  	[tilespmem:s23+$0xFFFFF000] =	vst v59;
	v61 =	vpop (erf);
	v63 =	vmul.f32 v58, v5;
	(pc) =	sbr.rel @p0 .LBB2_3-.Ltmp1, $4  }
0x9c: {  	v0 =	vmul.f32 v61, v0;
	[tilespmem:s23+$0x800] =	vst v3;
	v62 =	vpop (erf)  }
0x9d: {  	[tilespmem:s23+$0xFFFFF800] =	vst v63;
	v1 =	vmul.f32 v62, v11  }
0x9e: {  	[tilespmem:s23+$0x400] =	vst v0  }
0x9f: {  	s21 =	sadd.s32 $0x10, s21;
	s22 =	sadd.s32 $0x10, s22;
	[tilespmem:s23+$0xC00] =	vst v1  }
0xa0: {  	s20 =	simm.s32 $0x0;
	s21 =	simm.s32 $0xC000;
	s22 =	simm.s32 $0x4000  }
.LBB2_7:
0xa1: {  	s0 =	sshll.u32 s20, $0x4  }
0xa2: {  	s23 =	sor.u32 $0x400, s0  }
0xa3: {  	v3 =	vld [tilespmem:s23+$0x0];
	_ =	sdelay $0x1  }
0xa4: {  	v2 =	vld [tilespmem:s21+$0xFFFFFC00]  }
0xa5: {  	v8 =	vld [tilespmem:s21+$0xC00]  }
0xa6: {  	s31 =	simm.s32 $0x0;
	v10 =	vld [tilespmem:s21+$0xFFFFF000]  }
0xa7: {  	s24 =	simm.s32 $0x1000;
	v14 =	vld [tilespmem:s21+$0x0];
	v1 =	vadd.s32 s31, v3  }
0xa8: {  	s25 =	simm.s32 $0x400;
	v15 =	vld [tilespmem:s21+$0xFFFFF400];
	v6 =	vadd.s32 s24, v3  }
0xa9: {  	s30 =	simm.s32 $0x800;
	v4 =	vld [tilespmem:s0+$0x1000];
	v7 =	vadd.s32 s25, v3  }
0xaa: {  	s26 =	simm.s32 $0x1400;
	v5 =	vld [tilespmem:s0+$0x1C00];
	v13 =	vadd.s32 s30, v3  }
0xab: {  	v0 =	vld [tilespmem:s0+$0x2800];
	v11 =	vadd.s32 s26, v3;
	s31 =	simm.s32 $0xC00  }
0xac: {  	v16 =	vadd.s32 s31, v3;
	v1 =	vld.idx.msk [tilespmem:v1+s16+$0x0], $0xffff  }
0xad: {  	s29 =	simm.s32 $0x1800;
	v6 =	vld.idx.msk [tilespmem:v6+s16+$0x0], $0xffff  }
0xae: {  	v12 =	vadd.s32 s29, v3;
	v7 =	vld.idx.msk [tilespmem:v7+s16+$0x0], $0xffff  }
0xaf: {  	v13 =	vld.idx.msk [tilespmem:v13+s16+$0x0], $0xffff  }
0xb0: {  	v10 =	vmul.f32 v10, v4;
	v11 =	vld.idx.msk [tilespmem:v11+s16+$0x0], $0xffff  }
0xb1: {  	s23 =	simm.s32 $0x1C00;
	v14 =	vmul.f32 v14, v4;
	v20 =	vmul.f32 v8, v4;
	v8 =	vld.idx.msk [tilespmem:v16+s16+$0x0], $0xffff  }
0xb2: {  	v9 =	vld [tilespmem:s21+$0xFFFFF800];
	v19 =	vmul.f32 v2, v4;
	v18 =	vadd.s32 s23, v3;
	v1 =	vmul.f32 v1, v5  }
0xb3: {  	v12 =	vld.idx.msk [tilespmem:v12+s16+$0x0], $0xffff;
	v6 =	vmul.f32 v6, v5;
	v7 =	vmul.f32 v7, v5  }
0xb4: {  	v17 =	vld [tilespmem:s21+$0x400];
	v15 =	vmul.f32 v15, v4;
	v13 =	vmul.f32 v13, v5;
	v1 =	vadd.f32 v1, v0  }
0xb5: {  	v11 =	vmul.f32 v11, v5;
	v6 =	vadd.f32 v6, v0;
	v7 =	vadd.f32 v7, v0  }
0xb6: {  	v8 =	vmul.f32 v8, v5;
	v13 =	vadd.f32 v13, v0;
	v1 =	vadd.f32 v1, v10  }
0xb7: {  	v2 =	vadd.f32 v6, v14;
	v6 =	vmul.f32 v9, v4;
	v21 =	vadd.f32 v7, v15;
	v9 =	vld.idx.msk [tilespmem:v18+s16+$0x0], $0xffff  }
0xb8: {  	v11 =	vadd.f32 v11, v0;
	v7 =	vmul.f32 v12, v5;
	v12 =	vsub.f32 $0.0e+00, v1  }
0xb9: {  	v16 =	vld [tilespmem:s21+$0x800];
	v8 =	vadd.f32 v8, v0;
	v10 =	vmul.f32 v17, v4;
	v15 =	vsub.f32 $0.0e+00, v21  }
0xba: {  	s23 =	sadd.s32 $0x2000, s21;
	s26 =	simm.s32 $0x2400;
	v14 =	vsub.f32 $0.0e+00, v2;
	v17 =	vadd.f32 v7, v0;
	v12 =	vmul.f32 $1.442695020e+00, v12  }
0xbb: {  	s24 =	simm.s32 $0x2000;
	v24 =	vld [tilespmem:s23+$0x400];
	v6 =	vadd.f32 v13, v6;
	v13 =	vadd.s32 s26, v3;
	v15 =	vmul.f32 $1.442695020e+00, v15  }
0xbc: {  	s25 =	simm.s32 $0x3000;
	v7 =	vmul.f32 v9, v5;
	v9 =	vld [tilespmem:s23+$0xFFFFFC00];
	(erf) = vpow2.f32 v12;
	v12 =	vadd.s32 s24, v3  }
0xbd: {  	v18 =	vadd.s32 s25, v3;
	v14 =	vmul.f32 $1.442695020e+00, v14;
	(erf) = vpow2.f32 v15;
	v15 =	vld [tilespmem:s23+$0xC00]  }
0xbe: {  	v16 =	vmul.f32 v16, v4;
	v8 =	vadd.f32 v8, v19;
	v19 =	vld [tilespmem:s23+$0x800]  }
0xbf: {  	s24 =	simm.s32 $0x2800;
	v22 =	vadd.f32 v7, v0;
	v7 =	vadd.f32 v11, v10;
	v10 =	vld [tilespmem:s23+$0xFFFFF000];
	(erf) = vpow2.f32 v14  }
0xc0: {  	s25 =	simm.s32 $0x3800;
	v27 =	vsub.f32 $0.0e+00, v8;
	v25 =	vsub.f32 $0.0e+00, v6;
	v23 =	vadd.s32 s24, v3;
	v13 =	vld.idx.msk [tilespmem:v13+s16+$0x0], $0xffff  }
0xc1: {  	s29 =	simm.s32 $0x3400;
	v14 =	vadd.s32 s25, v3;
	v26 =	vsub.f32 $0.0e+00, v7;
	v31 =	vmul.f32 v9, v4;
	v12 =	vld.idx.msk [tilespmem:v12+s16+$0x0], $0xffff  }
0xc2: {  	s30 =	simm.s32 $0x2C00;
	v9 =	vadd.f32 v17, v16;
	v16 =	vadd.s32 s29, v3;
	v11 =	vmul.f32 v15, v4;
	v15 =	vld.idx.msk [tilespmem:v18+s16+$0x0], $0xffff  }
0xc3: {  	v32 =	vadd.s32 s30, v3;
	v18 =	vmul.f32 $1.442695020e+00, v25;
	v25 =	vld [tilespmem:s23+$0x0]  }
0xc4: {  	v27 =	vmul.f32 $1.442695020e+00, v27;
	v29 =	vmul.f32 $1.442695020e+00, v26;
	v26 =	vld [tilespmem:s23+$0xFFFFF800];
	v28 =	vsub.f32 $0.0e+00, v9  }
0xc5: {  	s31 =	simm.s32 $0x3C00;
	v30 =	vmul.f32 v10, v4;
	v10 =	vadd.f32 v22, v20;
	v22 =	vld.idx.msk [tilespmem:v23+s16+$0x0], $0xffff;
	v13 =	vmul.f32 v13, v5;
	v17 =	vpop (erf)  }
0xc6: {  	v23 =	vadd.s32 s31, v3;
	v33 =	vpop (erf);
	(erf) = vpow2.f32 v18;
	v12 =	vmul.f32 v12, v5;
	v18 =	vld.idx.msk [tilespmem:v14+s16+$0x0], $0xffff  }
0xc7: {  	v14 =	vadd.f32 $1.000000000e+00, v33;
	v20 =	vmul.f32 v15, v5;
	(erf) = vpow2.f32 v27;
	v27 =	vld.idx.msk [tilespmem:v16+s16+$0x0], $0xffff  }
0xc8: {  	v15 =	vmul.f32 v24, v4;
	v16 =	vpop (erf);
	v24 =	vmul.f32 v25, v4;
	v25 =	vld [tilespmem:s23+$0xFFFFF400];
	v12 =	vadd.f32 v12, v0  }
0xc9: {  	v28 =	vmul.f32 $1.442695020e+00, v28;
	v13 =	vadd.f32 v13, v0;
	v60 =	vadd.f32 $1.000000000e+00, v16  }
0xca: {  	v16 =	vmul.f32 v19, v4;
	v19 =	vld.idx.msk [tilespmem:v32+s16+$0x0], $0xffff;
	(erf) = vrcp.f32 v14;
	v14 =	vadd.f32 v12, v30  }
0xcb: {  	v22 =	vmul.f32 v22, v5;
	v34 =	vadd.f32 v20, v0;
	(erf) = vrcp.f32 v60;
	v30 =	vld.idx.msk [tilespmem:v23+s16+$0x0], $0xffff  }
0xcc: {  	v20 =	vmul.f32 v26, v4;
	v18 =	vmul.f32 v18, v5;
	v23 =	vsub.f32 $0.0e+00, v14  }
0xcd: {  	v12 =	vadd.f32 v34, v24;
	(erf) = vpow2.f32 v28;
	v61 =	vmul.f32 v25, v4  }
0xce: {  	v24 =	vsub.f32 $0.0e+00, v10;
	v28 =	vadd.f32 v22, v0;
	v62 =	vmul.f32 $1.442695020e+00, v23  }
0xcf: {  	v23 =	vadd.f32 v18, v0;
	v13 =	vadd.f32 v13, v61;
	v18 =	vmul.f32 v19, v5;
	v25 =	vpop (erf)  }
0xd0: {  	v26 =	vmul.f32 v27, v5;
	v27 =	vsub.f32 $0.0e+00, v12;
	v22 =	vmul.f32 v30, v5;
	v19 =	vpop (erf)  }
0xd1: {  	(erf) = vpow2.f32 v29;
	v30 =	vsub.f32 $0.0e+00, v13;
	v19 =	vadd.f32 $1.000000000e+00, v19  }
0xd2: {  	v27 =	vmul.f32 $1.442695020e+00, v27;
	v29 =	vmul.f32 $1.442695020e+00, v24;
	v63 =	vadd.f32 v18, v0  }
0xd3: {  	s28 =	sadd.s32 $0x2000, s23;
	s26 =	simm.s32 $0x5C00;
	v22 =	vadd.f32 v22, v0;
	v18 =	vpop (erf);
	v30 =	vmul.f32 $1.442695020e+00, v30;
	(erf) = vrcp.f32 v19  }
0xd4: {  	s24 =	smov.u32 s22;
	s25 =	simm.s32 $0x8;
	s23 =	sadd.s32 $0x2000, s22;
	v21 =	vmul.f32 v18, v21;
	v18 =	vpop (erf);
	v19 =	vadd.f32 v63, v31;
	(erf) = vpow2.f32 v62  }
.LBB2_8:
0xd5: {  	s0 =	sadd.s32 $0xFFFFE400, s26;
	s29 =	sadd.s32 $0xFFFFE800, s26;
	s30 =	sadd.s32 $0xFFFFEC00, s26;
	v24 =	vld [tilespmem:s28+$0xFFFFFC00];
	v26 =	vadd.f32 v26, v0;
	v17 =	vadd.f32 $1.000000000e+00, v17;
	(erf) = vpow2.f32 v29  }
0xd6: {  	s31 =	sadd.s32 $0xFFFFF800, s26;
	v29 =	vadd.s32 s0, v3;
	v31 =	vadd.s32 s29, v3;
	s0 =	sadd.s32 $0xFFFFF000, s26;
	s29 =	sadd.s32 $0xFFFFF400, s26;
	v32 =	vld [tilespmem:s28+$0xC00];
	(erf) = vpow2.f32 v30;
	v30 =	vpop (erf)  }
0xd7: {  	s25 =	sadd.s32 $0x8, s25;
	v28 =	vadd.f32 v28, v20;
	v33 =	vadd.s32 s0, v3;
	v34 =	vadd.s32 s29, v3;
	s0 =	sadd.s32 $0xFFFFFC00, s26;
	v35 =	vld [tilespmem:s28+$0x800]  }
0xd8: {  	v25 =	vadd.f32 $1.000000000e+00, v25;
	v36 =	vadd.s32 s31, v3;
	p0 =	slt.u32 s25, $0x18;
	v20 =	vld [tilespmem:s28+$0xFFFFF800];
	v37 =	vadd.s32 s0, v3  }
0xd9: {  	v38 =	vadd.s32 s30, v3;
	v40 =	vadd.f32 v26, v15;
	v39 =	vld [tilespmem:s28+$0x400];
	(erf) = vrcp.f32 v17  }
0xda: {  	v43 =	vsub.f32 $0.0e+00, v28;
	v26 =	vsub.f32 $0.0e+00, v19;
	v15 =	vld [tilespmem:s28+$0xFFFFF000];
	v24 =	vmul.f32 v24, v4;
	v41 =	vpop (erf)  }
0xdb: {  	v42 =	vsub.f32 $0.0e+00, v40;
	v29 =	vld.idx.msk [tilespmem:v29+s16+$0x0], $0xffff;
	v32 =	vmul.f32 v32, v4;
	(erf) = vpow2.f32 v27  }
0xdc: {  	v23 =	vadd.f32 v23, v16;
	v44 =	vadd.f32 $1.000000000e+00, v30;
	v27 =	vld.idx.msk [tilespmem:v31+s16+$0x0], $0xffff;
	v31 =	vmul.f32 $1.442695020e+00, v43;
	v30 =	vpop (erf)  }
0xdd: {  	v42 =	vmul.f32 $1.442695020e+00, v42;
	v41 =	vadd.f32 $1.000000000e+00, v41;
	v34 =	vld.idx.msk [tilespmem:v34+s16+$0x0], $0xffff;
	v17 =	vpop (erf);
	(erf) = vrcp.f32 v25  }
0xde: {  	v25 =	vmul.f32 $1.442695020e+00, v26;
	v26 =	vsub.f32 $0.0e+00, v23;
	v36 =	vld.idx.msk [tilespmem:v36+s16+$0x0], $0xffff;
	(erf) = vrcp.f32 v44;
	v16 =	vpop (erf)  }
0xdf: {  	v44 =	vmul.f32 v30, v8;
	v37 =	vld.idx.msk [tilespmem:v37+s16+$0x0], $0xffff;
	v43 =	vpop (erf);
	v16 =	vadd.f32 $1.000000000e+00, v16;
	(erf) = vrcp.f32 v41  }
0xe0: {  	v8 =	vmov v19;
	v41 =	vmul.f32 v15, v4;
	(erf) = vpow2.f32 v31;
	[tilespmem:s24+$0xFFFFF400] =	vst v21  }
0xe1: {  	v22 =	vadd.f32 v22, v11;
	v11 =	vmovc v32;
	v19 =	vmul.f32 v29, v5;
	v29 =	vmul.f32 $1.442695020e+00, v26;
	v21 =	vld [tilespmem:s28+$0x0]  }
0xe2: {  	v15 =	vmul.f32 v39, v4;
	v26 =	vadd.f32 $1.000000000e+00, v43;
	[tilespmem:s24+$0xFFFFFC00] =	vst v44;
	v30 =	vpop (erf);
	(erf) = vrcp.f32 v16  }
0xe3: {  	v20 =	vmul.f32 v20, v4;
	v19 =	vadd.f32 v19, v0;
	v31 =	vld.idx.msk [tilespmem:v38+s16+$0x0], $0xffff;
	v38 =	vmul.f32 v18, v2  }
0xe4: {  	v32 =	vsub.f32 $0.0e+00, v22;
	v16 =	vmul.f32 v35, v4;
	v18 =	vadd.s32 s26, v3;
	v35 =	vpop (erf)  }
0xe5: {  	v34 =	vmul.f32 v34, v5;
	v2 =	vmovc v12;
	v19 =	vadd.f32 v19, v41;
	(erf) = vpow2.f32 v25;
	[tilespmem:s24+$0x0] =	vst v38  }
0xe6: {  	v39 =	vmul.f32 v30, v1;
	v35 =	vadd.f32 $1.000000000e+00, v35;
	v38 =	vld [tilespmem:s28+$0xFFFFF400];
	v12 =	vmul.f32 v21, v4;
	v30 =	vpop (erf)  }
0xe7: {  	v41 =	vadd.f32 v34, v0;
	v34 =	vmul.f32 v37, v5;
	(erf) = vrcp.f32 v26;
	v26 =	vpop (erf)  }
0xe8: {  	v27 =	vmul.f32 v27, v5;
	v1 =	vmov v14;
	v33 =	vld.idx.msk [tilespmem:v33+s16+$0x0], $0xffff;
	(erf) = vrcp.f32 v35;
	[tilespmem:s24+$0xFFFFF000] =	vst v39;
	v21 =	vpop (erf)  }
0xe9: {  	v14 =	vmul.f32 v31, v5;
	v12 =	vadd.f32 v41, v12;
	v31 =	vmul.f32 v26, v9;
	v18 =	vld.idx.msk [tilespmem:v18+s16+$0x0], $0xffff;
	v25 =	vpop (erf)  }
0xea: {  	v35 =	vsub.f32 $0.0e+00, v19;
	v26 =	vmul.f32 v36, v5;
	v9 =	vmovc v23;
	v21 =	vmul.f32 v21, v7;
	v7 =	vmovc v40  }
0xeb: {  	v23 =	vsub.f32 $0.0e+00, v12;
	v36 =	vmul.f32 v38, v4;
	(erf) = vpow2.f32 v29;
	v29 =	vpop (erf)  }
0xec: {  	v37 =	vadd.f32 v27, v0;
	v35 =	vmul.f32 $1.442695020e+00, v35;
	[tilespmem:s24+$0x800] =	vst v31;
	v29 =	vmul.f32 v29, v10;
	v10 =	vmovc v22  }
0xed: {  	v27 =	vmul.f32 $1.442695020e+00, v23;
	v23 =	vadd.f32 v34, v0;
	v22 =	vmul.f32 v30, v6;
	v6 =	vmovc v28;
	[tilespmem:s24+$0x400] =	vst v21  }
.Ltmp2:
0xee: {  	v28 =	vadd.f32 v14, v0;
	v31 =	vadd.f32 v37, v36;
	v34 =	vmul.f32 v33, v5;
	v14 =	vpop (erf);
	[tilespmem:s24+$0xC00] =	vst v29;
	(pc) =	sbr.rel @p0 .LBB2_8-.Ltmp2, $4  }
0xef: {  	v36 =	vmul.f32 v18, v5;
	v30 =	vadd.f32 $1.000000000e+00, v14;
	(erf) = vpow2.f32 v42;
	[tilespmem:s24+$0xFFFFF800] =	vst v22;
	v14 =	vmovc v19;
	s24 =	smov.u32 s23  }
0xf0: {  	v29 =	vmul.f32 $1.442695020e+00, v32;
	v19 =	vsub.f32 $0.0e+00, v31;
	v33 =	vadd.f32 v34, v0;
	v21 =	vpop (erf)  }
0xf1: {  	v22 =	vadd.f32 v36, v0;
	v21 =	vmul.f32 v21, v13;
	(erf) = vrcp.f32 v30;
	v18 =	vpop (erf)  }
0xf2: {  	s26 =	sadd.s32 $0x2000, s26;
	s28 =	sadd.s32 $0x2000, s28;
	s23 =	sadd.s32 $0x2000, s23;
	v30 =	vmul.f32 $1.442695020e+00, v19;
	v19 =	vadd.f32 v33, v24;
	v13 =	vmovc v31;
	(erf) = vpow2.f32 v35  }
0xf3: {  	(erf) = vpow2.f32 v29;
	_ =	sdelay $0x3  }
0xf4: {  	v3 =	vadd.f32 $1.000000000e+00, v17  }
0xf5: {  	v5 =	vadd.f32 v28, v20;
	(erf) = vpow2.f32 v30;
	v4 =	vpop (erf)  }
0xf6: {  	v54 =	vadd.f32 $1.000000000e+00, v25;
	(erf) = vrcp.f32 v3;
	v55 =	vpop (erf)  }
0xf7: {  	v20 =	vsub.f32 $0.0e+00, v5;
	v4 =	vadd.f32 $1.000000000e+00, v4;
	(erf) = vpow2.f32 v27;
	v24 =	vpop (erf)  }
0xf8: {  	v3 =	vadd.f32 $1.000000000e+00, v55;
	(erf) = vrcp.f32 v54;
	v56 =	vpop (erf)  }
0xf9: {  	v57 =	vsub.f32 $0.0e+00, v19;
	v20 =	vmul.f32 $1.442695020e+00, v20;
	(erf) = vrcp.f32 v4;
	v58 =	vpop (erf)  }
0xfa: {  	(erf) = vrcp.f32 v3;
	v4 =	vadd.f32 $1.000000000e+00, v58  }
0xfb: {  	v59 =	vmul.f32 $1.442695020e+00, v57;
	(erf) = vpow2.f32 v20  }
0xfc: {  	(erf) = vrcp.f32 v4  }
0xfd: {  	(erf) = vpow2.f32 v59  }
0xfe: {  	v60 =	vpop (erf)  }
0xff: {  	v61 =	vpop (erf)  }
0x100: {  	v0 =	vadd.f32 v26, v0;
	v62 =	vpop (erf)  }
0x101: {  	v63 =	vadd.f32 v23, v16;
	v32 =	vpop (erf)  }
0x102: {  	v11 =	vadd.f32 v22, v11;
	v0 =	vadd.f32 v0, v15;
	v34 =	vpop (erf)  }
0x103: {  	v35 =	vsub.f32 $0.0e+00, v63;
	v3 =	vadd.f32 $1.000000000e+00, v60;
	v36 =	vpop (erf)  }
0x104: {  	v33 =	vsub.f32 $0.0e+00, v0;
	v17 =	vadd.f32 $1.000000000e+00, v62;
	v37 =	vpop (erf)  }
0x105: {  	v26 =	vmul.f32 $1.442695020e+00, v35;
	(erf) = vrcp.f32 v3;
	v38 =	vpop (erf)  }
0x106: {  	v39 =	vsub.f32 $0.0e+00, v11;
	v20 =	vmul.f32 $1.442695020e+00, v33;
	(erf) = vrcp.f32 v17;
	v40 =	vpop (erf)  }
0x107: {  	(erf) = vpow2.f32 v26;
	v17 =	vadd.f32 $1.000000000e+00, v40  }
0x108: {  	v41 =	vmul.f32 $1.442695020e+00, v39;
	(erf) = vpow2.f32 v20  }
0x109: {  	(erf) = vrcp.f32 v17  }
0x10a: {  	(erf) = vpow2.f32 v41;
	_ =	sdelay $0x3  }
0x10b: {  	v42 =	vpop (erf)  }
0x10c: {  	v25 =	vadd.f32 $1.000000000e+00, v56;
	v43 =	vpop (erf)  }
0x10d: {  	v22 =	vadd.f32 $1.000000000e+00, v37;
	v26 =	vpop (erf)  }
0x10e: {  	(erf) = vrcp.f32 v25;
	v44 =	vpop (erf);
	v45 =	vadd.f32 $1.000000000e+00, v26  }
0x10f: {  	v2 =	vmul.f32 v18, v2;
	(erf) = vrcp.f32 v22;
	v46 =	vpop (erf)  }
0x110: {  	[tilespmem:s24+$0xFFFFF400] =	vst v21;
	v8 =	vmul.f32 v24, v8;
	v47 =	vadd.f32 $1.000000000e+00, v44;
	(erf) = vrcp.f32 v45;
	v48 =	vpop (erf)  }
0x111: {  	[tilespmem:s24+$0x0] =	vst v2;
	v1 =	vmul.f32 v61, v1;
	v49 =	vadd.f32 $1.000000000e+00, v48  }
0x112: {  	[tilespmem:s24+$0xFFFFFC00] =	vst v8;
	v53 =	vmul.f32 v32, v6;
	(erf) = vrcp.f32 v47  }
0x113: {  	[tilespmem:s24+$0xFFFFF000] =	vst v1;
	v50 =	vmul.f32 v34, v9;
	(erf) = vrcp.f32 v49  }
0x114: {  	v51 =	vmul.f32 v36, v7;
	[tilespmem:s24+$0xFFFFF800] =	vst v53  }
0x115: {  	[tilespmem:s24+$0x800] =	vst v50;
	v52 =	vmul.f32 v38, v10  }
0x116: {  	[tilespmem:s24+$0x400] =	vst v51;
	v54 =	vmul.f32 v42, v13  }
0x117: {  	[tilespmem:s24+$0xC00] =	vst v52;
	v57 =	vmul.f32 v43, v12;
	v56 =	vpop (erf)  }
0x118: {  	[tilespmem:s23+$0xFFFFF400] =	vst v54;
	v55 =	vmul.f32 v46, v19;
	v58 =	vpop (erf)  }
0x119: {  	s20 =	sadd.s32 $0x1, s20;
	[tilespmem:s23+$0x0] =	vst v57;
	v59 =	vmul.f32 v56, v14;
	v60 =	vpop (erf)  }
0x11a: {  	p0 =	sne.s32 s20, $0x40;
	[tilespmem:s23+$0xFFFFFC00] =	vst v55;
	v3 =	vmul.f32 v60, v63  }
.Ltmp3:
0x11b: {  	[tilespmem:s23+$0xFFFFF000] =	vst v59;
	v61 =	vpop (erf);
	v63 =	vmul.f32 v58, v5;
	(pc) =	sbr.rel @p0 .LBB2_7-.Ltmp3, $4  }
0x11c: {  	v0 =	vmul.f32 v61, v0;
	[tilespmem:s23+$0x800] =	vst v3;
	v62 =	vpop (erf)  }
0x11d: {  	[tilespmem:s23+$0xFFFFF800] =	vst v63;
	v1 =	vmul.f32 v62, v11  }
0x11e: {  	[tilespmem:s23+$0x400] =	vst v0  }
0x11f: {  	s21 =	sadd.s32 $0x10, s21;
	s22 =	sadd.s32 $0x10, s22;
	[tilespmem:s23+$0xC00] =	vst v1  }
0x120: {  	s20 =	simm.s32 $0x0;
	s21 =	simm.s32 $0x4000;
	s22 =	simm.s32 $0xC000  }
.LBB2_11:
0x121: {  	s0 =	sshll.u32 s20, $0x4  }
0x122: {  	s23 =	sor.u32 $0x800, s0  }
0x123: {  	v3 =	vld [tilespmem:s23+$0x0];
	_ =	sdelay $0x1  }
0x124: {  	v2 =	vld [tilespmem:s21+$0xFFFFFC00]  }
0x125: {  	v8 =	vld [tilespmem:s21+$0xC00]  }
0x126: {  	s31 =	simm.s32 $0x0;
	v10 =	vld [tilespmem:s21+$0xFFFFF000]  }
0x127: {  	s24 =	simm.s32 $0x1000;
	v14 =	vld [tilespmem:s21+$0x0];
	v1 =	vadd.s32 s31, v3  }
0x128: {  	s25 =	simm.s32 $0x400;
	v15 =	vld [tilespmem:s21+$0xFFFFF400];
	v6 =	vadd.s32 s24, v3  }
0x129: {  	s30 =	simm.s32 $0x800;
	v4 =	vld [tilespmem:s0+$0x1400];
	v7 =	vadd.s32 s25, v3  }
0x12a: {  	s26 =	simm.s32 $0x1400;
	v5 =	vld [tilespmem:s0+$0x2000];
	v13 =	vadd.s32 s30, v3  }
0x12b: {  	v0 =	vld [tilespmem:s0+$0x2C00];
	v11 =	vadd.s32 s26, v3;
	s31 =	simm.s32 $0xC00  }
0x12c: {  	v16 =	vadd.s32 s31, v3;
	v1 =	vld.idx.msk [tilespmem:v1+s15+$0x0], $0xffff  }
0x12d: {  	s29 =	simm.s32 $0x1800;
	v6 =	vld.idx.msk [tilespmem:v6+s15+$0x0], $0xffff  }
0x12e: {  	v12 =	vadd.s32 s29, v3;
	v7 =	vld.idx.msk [tilespmem:v7+s15+$0x0], $0xffff  }
0x12f: {  	v13 =	vld.idx.msk [tilespmem:v13+s15+$0x0], $0xffff  }
0x130: {  	v10 =	vmul.f32 v10, v4;
	v11 =	vld.idx.msk [tilespmem:v11+s15+$0x0], $0xffff  }
0x131: {  	s23 =	simm.s32 $0x1C00;
	v14 =	vmul.f32 v14, v4;
	v20 =	vmul.f32 v8, v4;
	v8 =	vld.idx.msk [tilespmem:v16+s15+$0x0], $0xffff  }
0x132: {  	v9 =	vld [tilespmem:s21+$0xFFFFF800];
	v19 =	vmul.f32 v2, v4;
	v18 =	vadd.s32 s23, v3;
	v1 =	vmul.f32 v1, v5  }
0x133: {  	v12 =	vld.idx.msk [tilespmem:v12+s15+$0x0], $0xffff;
	v6 =	vmul.f32 v6, v5;
	v7 =	vmul.f32 v7, v5  }
0x134: {  	v17 =	vld [tilespmem:s21+$0x400];
	v15 =	vmul.f32 v15, v4;
	v13 =	vmul.f32 v13, v5;
	v1 =	vadd.f32 v1, v0  }
0x135: {  	v11 =	vmul.f32 v11, v5;
	v6 =	vadd.f32 v6, v0;
	v7 =	vadd.f32 v7, v0  }
0x136: {  	v8 =	vmul.f32 v8, v5;
	v13 =	vadd.f32 v13, v0;
	v1 =	vadd.f32 v1, v10  }
0x137: {  	v2 =	vadd.f32 v6, v14;
	v6 =	vmul.f32 v9, v4;
	v21 =	vadd.f32 v7, v15;
	v9 =	vld.idx.msk [tilespmem:v18+s15+$0x0], $0xffff  }
0x138: {  	v11 =	vadd.f32 v11, v0;
	v7 =	vmul.f32 v12, v5;
	v12 =	vsub.f32 $0.0e+00, v1  }
0x139: {  	v16 =	vld [tilespmem:s21+$0x800];
	v8 =	vadd.f32 v8, v0;
	v10 =	vmul.f32 v17, v4;
	v15 =	vsub.f32 $0.0e+00, v21  }
0x13a: {  	s23 =	sadd.s32 $0x2000, s21;
	s26 =	simm.s32 $0x2400;
	v14 =	vsub.f32 $0.0e+00, v2;
	v17 =	vadd.f32 v7, v0;
	v12 =	vmul.f32 $1.442695020e+00, v12  }
0x13b: {  	s24 =	simm.s32 $0x2000;
	v24 =	vld [tilespmem:s23+$0x400];
	v6 =	vadd.f32 v13, v6;
	v13 =	vadd.s32 s26, v3;
	v15 =	vmul.f32 $1.442695020e+00, v15  }
0x13c: {  	s25 =	simm.s32 $0x3000;
	v7 =	vmul.f32 v9, v5;
	v9 =	vld [tilespmem:s23+$0xFFFFFC00];
	(erf) = vpow2.f32 v12;
	v12 =	vadd.s32 s24, v3  }
0x13d: {  	v18 =	vadd.s32 s25, v3;
	v14 =	vmul.f32 $1.442695020e+00, v14;
	(erf) = vpow2.f32 v15;
	v15 =	vld [tilespmem:s23+$0xC00]  }
0x13e: {  	v16 =	vmul.f32 v16, v4;
	v8 =	vadd.f32 v8, v19;
	v19 =	vld [tilespmem:s23+$0x800]  }
0x13f: {  	s24 =	simm.s32 $0x2800;
	v22 =	vadd.f32 v7, v0;
	v7 =	vadd.f32 v11, v10;
	v10 =	vld [tilespmem:s23+$0xFFFFF000];
	(erf) = vpow2.f32 v14  }
0x140: {  	s25 =	simm.s32 $0x3800;
	v27 =	vsub.f32 $0.0e+00, v8;
	v25 =	vsub.f32 $0.0e+00, v6;
	v23 =	vadd.s32 s24, v3;
	v13 =	vld.idx.msk [tilespmem:v13+s15+$0x0], $0xffff  }
0x141: {  	s29 =	simm.s32 $0x3400;
	v14 =	vadd.s32 s25, v3;
	v26 =	vsub.f32 $0.0e+00, v7;
	v31 =	vmul.f32 v9, v4;
	v12 =	vld.idx.msk [tilespmem:v12+s15+$0x0], $0xffff  }
0x142: {  	s30 =	simm.s32 $0x2C00;
	v9 =	vadd.f32 v17, v16;
	v16 =	vadd.s32 s29, v3;
	v11 =	vmul.f32 v15, v4;
	v15 =	vld.idx.msk [tilespmem:v18+s15+$0x0], $0xffff  }
0x143: {  	v32 =	vadd.s32 s30, v3;
	v18 =	vmul.f32 $1.442695020e+00, v25;
	v25 =	vld [tilespmem:s23+$0x0]  }
0x144: {  	v27 =	vmul.f32 $1.442695020e+00, v27;
	v29 =	vmul.f32 $1.442695020e+00, v26;
	v26 =	vld [tilespmem:s23+$0xFFFFF800];
	v28 =	vsub.f32 $0.0e+00, v9  }
0x145: {  	s31 =	simm.s32 $0x3C00;
	v30 =	vmul.f32 v10, v4;
	v10 =	vadd.f32 v22, v20;
	v22 =	vld.idx.msk [tilespmem:v23+s15+$0x0], $0xffff;
	v13 =	vmul.f32 v13, v5;
	v17 =	vpop (erf)  }
0x146: {  	v23 =	vadd.s32 s31, v3;
	v33 =	vpop (erf);
	(erf) = vpow2.f32 v18;
	v12 =	vmul.f32 v12, v5;
	v18 =	vld.idx.msk [tilespmem:v14+s15+$0x0], $0xffff  }
0x147: {  	v14 =	vadd.f32 $1.000000000e+00, v33;
	v20 =	vmul.f32 v15, v5;
	(erf) = vpow2.f32 v27;
	v27 =	vld.idx.msk [tilespmem:v16+s15+$0x0], $0xffff  }
0x148: {  	v15 =	vmul.f32 v24, v4;
	v16 =	vpop (erf);
	v24 =	vmul.f32 v25, v4;
	v25 =	vld [tilespmem:s23+$0xFFFFF400];
	v12 =	vadd.f32 v12, v0  }
0x149: {  	v28 =	vmul.f32 $1.442695020e+00, v28;
	v13 =	vadd.f32 v13, v0;
	v60 =	vadd.f32 $1.000000000e+00, v16  }
0x14a: {  	v16 =	vmul.f32 v19, v4;
	v19 =	vld.idx.msk [tilespmem:v32+s15+$0x0], $0xffff;
	(erf) = vrcp.f32 v14;
	v14 =	vadd.f32 v12, v30  }
0x14b: {  	v22 =	vmul.f32 v22, v5;
	v34 =	vadd.f32 v20, v0;
	(erf) = vrcp.f32 v60;
	v30 =	vld.idx.msk [tilespmem:v23+s15+$0x0], $0xffff  }
0x14c: {  	v20 =	vmul.f32 v26, v4;
	v18 =	vmul.f32 v18, v5;
	v23 =	vsub.f32 $0.0e+00, v14  }
0x14d: {  	v12 =	vadd.f32 v34, v24;
	(erf) = vpow2.f32 v28;
	v61 =	vmul.f32 v25, v4  }
0x14e: {  	v24 =	vsub.f32 $0.0e+00, v10;
	v28 =	vadd.f32 v22, v0;
	v62 =	vmul.f32 $1.442695020e+00, v23  }
0x14f: {  	v23 =	vadd.f32 v18, v0;
	v13 =	vadd.f32 v13, v61;
	v18 =	vmul.f32 v19, v5;
	v25 =	vpop (erf)  }
0x150: {  	v26 =	vmul.f32 v27, v5;
	v27 =	vsub.f32 $0.0e+00, v12;
	v22 =	vmul.f32 v30, v5;
	v19 =	vpop (erf)  }
0x151: {  	(erf) = vpow2.f32 v29;
	v30 =	vsub.f32 $0.0e+00, v13;
	v19 =	vadd.f32 $1.000000000e+00, v19  }
0x152: {  	v27 =	vmul.f32 $1.442695020e+00, v27;
	v29 =	vmul.f32 $1.442695020e+00, v24;
	v63 =	vadd.f32 v18, v0  }
0x153: {  	s28 =	sadd.s32 $0x2000, s23;
	s26 =	simm.s32 $0x5C00;
	v22 =	vadd.f32 v22, v0;
	v18 =	vpop (erf);
	v30 =	vmul.f32 $1.442695020e+00, v30;
	(erf) = vrcp.f32 v19  }
0x154: {  	s24 =	smov.u32 s22;
	s25 =	simm.s32 $0x8;
	s23 =	sadd.s32 $0x2000, s22;
	v21 =	vmul.f32 v18, v21;
	v18 =	vpop (erf);
	v19 =	vadd.f32 v63, v31;
	(erf) = vpow2.f32 v62  }
.LBB2_12:
0x155: {  	s0 =	sadd.s32 $0xFFFFE400, s26;
	s29 =	sadd.s32 $0xFFFFE800, s26;
	s30 =	sadd.s32 $0xFFFFEC00, s26;
	v24 =	vld [tilespmem:s28+$0xFFFFFC00];
	v26 =	vadd.f32 v26, v0;
	v17 =	vadd.f32 $1.000000000e+00, v17;
	(erf) = vpow2.f32 v29  }
0x156: {  	s31 =	sadd.s32 $0xFFFFF800, s26;
	v29 =	vadd.s32 s0, v3;
	v31 =	vadd.s32 s29, v3;
	s0 =	sadd.s32 $0xFFFFF000, s26;
	s29 =	sadd.s32 $0xFFFFF400, s26;
	v32 =	vld [tilespmem:s28+$0xC00];
	(erf) = vpow2.f32 v30;
	v30 =	vpop (erf)  }
0x157: {  	s25 =	sadd.s32 $0x8, s25;
	v28 =	vadd.f32 v28, v20;
	v33 =	vadd.s32 s0, v3;
	v34 =	vadd.s32 s29, v3;
	s0 =	sadd.s32 $0xFFFFFC00, s26;
	v35 =	vld [tilespmem:s28+$0x800]  }
0x158: {  	v25 =	vadd.f32 $1.000000000e+00, v25;
	v36 =	vadd.s32 s31, v3;
	p0 =	slt.u32 s25, $0x18;
	v20 =	vld [tilespmem:s28+$0xFFFFF800];
	v37 =	vadd.s32 s0, v3  }
0x159: {  	v38 =	vadd.s32 s30, v3;
	v40 =	vadd.f32 v26, v15;
	v39 =	vld [tilespmem:s28+$0x400];
	(erf) = vrcp.f32 v17  }
0x15a: {  	v43 =	vsub.f32 $0.0e+00, v28;
	v26 =	vsub.f32 $0.0e+00, v19;
	v15 =	vld [tilespmem:s28+$0xFFFFF000];
	v24 =	vmul.f32 v24, v4;
	v41 =	vpop (erf)  }
0x15b: {  	v42 =	vsub.f32 $0.0e+00, v40;
	v29 =	vld.idx.msk [tilespmem:v29+s15+$0x0], $0xffff;
	v32 =	vmul.f32 v32, v4;
	(erf) = vpow2.f32 v27  }
0x15c: {  	v23 =	vadd.f32 v23, v16;
	v44 =	vadd.f32 $1.000000000e+00, v30;
	v27 =	vld.idx.msk [tilespmem:v31+s15+$0x0], $0xffff;
	v31 =	vmul.f32 $1.442695020e+00, v43;
	v30 =	vpop (erf)  }
0x15d: {  	v42 =	vmul.f32 $1.442695020e+00, v42;
	v41 =	vadd.f32 $1.000000000e+00, v41;
	v34 =	vld.idx.msk [tilespmem:v34+s15+$0x0], $0xffff;
	v17 =	vpop (erf);
	(erf) = vrcp.f32 v25  }
0x15e: {  	v25 =	vmul.f32 $1.442695020e+00, v26;
	v26 =	vsub.f32 $0.0e+00, v23;
	v36 =	vld.idx.msk [tilespmem:v36+s15+$0x0], $0xffff;
	(erf) = vrcp.f32 v44;
	v16 =	vpop (erf)  }
0x15f: {  	v44 =	vmul.f32 v30, v8;
	v37 =	vld.idx.msk [tilespmem:v37+s15+$0x0], $0xffff;
	v43 =	vpop (erf);
	v16 =	vadd.f32 $1.000000000e+00, v16;
	(erf) = vrcp.f32 v41  }
0x160: {  	v8 =	vmov v19;
	v41 =	vmul.f32 v15, v4;
	(erf) = vpow2.f32 v31;
	[tilespmem:s24+$0xFFFFF400] =	vst v21  }
0x161: {  	v22 =	vadd.f32 v22, v11;
	v11 =	vmovc v32;
	v19 =	vmul.f32 v29, v5;
	v29 =	vmul.f32 $1.442695020e+00, v26;
	v21 =	vld [tilespmem:s28+$0x0]  }
0x162: {  	v15 =	vmul.f32 v39, v4;
	v26 =	vadd.f32 $1.000000000e+00, v43;
	[tilespmem:s24+$0xFFFFFC00] =	vst v44;
	v30 =	vpop (erf);
	(erf) = vrcp.f32 v16  }
0x163: {  	v20 =	vmul.f32 v20, v4;
	v19 =	vadd.f32 v19, v0;
	v31 =	vld.idx.msk [tilespmem:v38+s15+$0x0], $0xffff;
	v38 =	vmul.f32 v18, v2  }
0x164: {  	v32 =	vsub.f32 $0.0e+00, v22;
	v16 =	vmul.f32 v35, v4;
	v18 =	vadd.s32 s26, v3;
	v35 =	vpop (erf)  }
0x165: {  	v34 =	vmul.f32 v34, v5;
	v2 =	vmovc v12;
	v19 =	vadd.f32 v19, v41;
	(erf) = vpow2.f32 v25;
	[tilespmem:s24+$0x0] =	vst v38  }
0x166: {  	v39 =	vmul.f32 v30, v1;
	v35 =	vadd.f32 $1.000000000e+00, v35;
	v38 =	vld [tilespmem:s28+$0xFFFFF400];
	v12 =	vmul.f32 v21, v4;
	v30 =	vpop (erf)  }
0x167: {  	v41 =	vadd.f32 v34, v0;
	v34 =	vmul.f32 v37, v5;
	(erf) = vrcp.f32 v26;
	v26 =	vpop (erf)  }
0x168: {  	v27 =	vmul.f32 v27, v5;
	v1 =	vmov v14;
	v33 =	vld.idx.msk [tilespmem:v33+s15+$0x0], $0xffff;
	(erf) = vrcp.f32 v35;
	[tilespmem:s24+$0xFFFFF000] =	vst v39;
	v21 =	vpop (erf)  }
0x169: {  	v14 =	vmul.f32 v31, v5;
	v12 =	vadd.f32 v41, v12;
	v31 =	vmul.f32 v26, v9;
	v18 =	vld.idx.msk [tilespmem:v18+s15+$0x0], $0xffff;
	v25 =	vpop (erf)  }
0x16a: {  	v35 =	vsub.f32 $0.0e+00, v19;
	v26 =	vmul.f32 v36, v5;
	v9 =	vmovc v23;
	v21 =	vmul.f32 v21, v7;
	v7 =	vmovc v40  }
0x16b: {  	v23 =	vsub.f32 $0.0e+00, v12;
	v36 =	vmul.f32 v38, v4;
	(erf) = vpow2.f32 v29;
	v29 =	vpop (erf)  }
0x16c: {  	v37 =	vadd.f32 v27, v0;
	v35 =	vmul.f32 $1.442695020e+00, v35;
	[tilespmem:s24+$0x800] =	vst v31;
	v29 =	vmul.f32 v29, v10;
	v10 =	vmovc v22  }
0x16d: {  	v27 =	vmul.f32 $1.442695020e+00, v23;
	v23 =	vadd.f32 v34, v0;
	v22 =	vmul.f32 v30, v6;
	v6 =	vmovc v28;
	[tilespmem:s24+$0x400] =	vst v21  }
.Ltmp4:
0x16e: {  	v28 =	vadd.f32 v14, v0;
	v31 =	vadd.f32 v37, v36;
	v34 =	vmul.f32 v33, v5;
	v14 =	vpop (erf);
	[tilespmem:s24+$0xC00] =	vst v29;
	(pc) =	sbr.rel @p0 .LBB2_12-.Ltmp4, $4  }
0x16f: {  	v36 =	vmul.f32 v18, v5;
	v30 =	vadd.f32 $1.000000000e+00, v14;
	(erf) = vpow2.f32 v42;
	[tilespmem:s24+$0xFFFFF800] =	vst v22;
	v14 =	vmovc v19;
	s24 =	smov.u32 s23  }
0x170: {  	v29 =	vmul.f32 $1.442695020e+00, v32;
	v19 =	vsub.f32 $0.0e+00, v31;
	v33 =	vadd.f32 v34, v0;
	v21 =	vpop (erf)  }
0x171: {  	v22 =	vadd.f32 v36, v0;
	v21 =	vmul.f32 v21, v13;
	(erf) = vrcp.f32 v30;
	v18 =	vpop (erf)  }
0x172: {  	s26 =	sadd.s32 $0x2000, s26;
	s28 =	sadd.s32 $0x2000, s28;
	s23 =	sadd.s32 $0x2000, s23;
	v30 =	vmul.f32 $1.442695020e+00, v19;
	v19 =	vadd.f32 v33, v24;
	v13 =	vmovc v31;
	(erf) = vpow2.f32 v35  }
0x173: {  	(erf) = vpow2.f32 v29;
	_ =	sdelay $0x3  }
0x174: {  	v3 =	vadd.f32 $1.000000000e+00, v17  }
0x175: {  	v5 =	vadd.f32 v28, v20;
	(erf) = vpow2.f32 v30;
	v4 =	vpop (erf)  }
0x176: {  	v54 =	vadd.f32 $1.000000000e+00, v25;
	(erf) = vrcp.f32 v3;
	v55 =	vpop (erf)  }
0x177: {  	v20 =	vsub.f32 $0.0e+00, v5;
	v4 =	vadd.f32 $1.000000000e+00, v4;
	(erf) = vpow2.f32 v27;
	v24 =	vpop (erf)  }
0x178: {  	v3 =	vadd.f32 $1.000000000e+00, v55;
	(erf) = vrcp.f32 v54;
	v56 =	vpop (erf)  }
0x179: {  	v57 =	vsub.f32 $0.0e+00, v19;
	v20 =	vmul.f32 $1.442695020e+00, v20;
	(erf) = vrcp.f32 v4;
	v58 =	vpop (erf)  }
0x17a: {  	(erf) = vrcp.f32 v3;
	v4 =	vadd.f32 $1.000000000e+00, v58  }
0x17b: {  	v59 =	vmul.f32 $1.442695020e+00, v57;
	(erf) = vpow2.f32 v20  }
0x17c: {  	(erf) = vrcp.f32 v4  }
0x17d: {  	(erf) = vpow2.f32 v59  }
0x17e: {  	v60 =	vpop (erf)  }
0x17f: {  	v61 =	vpop (erf)  }
0x180: {  	v0 =	vadd.f32 v26, v0;
	v62 =	vpop (erf)  }
0x181: {  	v63 =	vadd.f32 v23, v16;
	v32 =	vpop (erf)  }
0x182: {  	v11 =	vadd.f32 v22, v11;
	v0 =	vadd.f32 v0, v15;
	v34 =	vpop (erf)  }
0x183: {  	v35 =	vsub.f32 $0.0e+00, v63;
	v3 =	vadd.f32 $1.000000000e+00, v60;
	v36 =	vpop (erf)  }
0x184: {  	v33 =	vsub.f32 $0.0e+00, v0;
	v17 =	vadd.f32 $1.000000000e+00, v62;
	v37 =	vpop (erf)  }
0x185: {  	v26 =	vmul.f32 $1.442695020e+00, v35;
	(erf) = vrcp.f32 v3;
	v38 =	vpop (erf)  }
0x186: {  	v39 =	vsub.f32 $0.0e+00, v11;
	v20 =	vmul.f32 $1.442695020e+00, v33;
	(erf) = vrcp.f32 v17;
	v40 =	vpop (erf)  }
0x187: {  	(erf) = vpow2.f32 v26;
	v17 =	vadd.f32 $1.000000000e+00, v40  }
0x188: {  	v41 =	vmul.f32 $1.442695020e+00, v39;
	(erf) = vpow2.f32 v20  }
0x189: {  	(erf) = vrcp.f32 v17  }
0x18a: {  	(erf) = vpow2.f32 v41;
	_ =	sdelay $0x3  }
0x18b: {  	v42 =	vpop (erf)  }
0x18c: {  	v25 =	vadd.f32 $1.000000000e+00, v56;
	v43 =	vpop (erf)  }
0x18d: {  	v22 =	vadd.f32 $1.000000000e+00, v37;
	v26 =	vpop (erf)  }
0x18e: {  	(erf) = vrcp.f32 v25;
	v44 =	vpop (erf);
	v45 =	vadd.f32 $1.000000000e+00, v26  }
0x18f: {  	v2 =	vmul.f32 v18, v2;
	(erf) = vrcp.f32 v22;
	v46 =	vpop (erf)  }
0x190: {  	[tilespmem:s24+$0xFFFFF400] =	vst v21;
	v8 =	vmul.f32 v24, v8;
	v47 =	vadd.f32 $1.000000000e+00, v44;
	(erf) = vrcp.f32 v45;
	v48 =	vpop (erf)  }
0x191: {  	[tilespmem:s24+$0x0] =	vst v2;
	v1 =	vmul.f32 v61, v1;
	v49 =	vadd.f32 $1.000000000e+00, v48  }
0x192: {  	[tilespmem:s24+$0xFFFFFC00] =	vst v8;
	v53 =	vmul.f32 v32, v6;
	(erf) = vrcp.f32 v47  }
0x193: {  	[tilespmem:s24+$0xFFFFF000] =	vst v1;
	v50 =	vmul.f32 v34, v9;
	(erf) = vrcp.f32 v49  }
0x194: {  	v51 =	vmul.f32 v36, v7;
	[tilespmem:s24+$0xFFFFF800] =	vst v53  }
0x195: {  	[tilespmem:s24+$0x800] =	vst v50;
	v52 =	vmul.f32 v38, v10  }
0x196: {  	[tilespmem:s24+$0x400] =	vst v51;
	v54 =	vmul.f32 v42, v13  }
0x197: {  	[tilespmem:s24+$0xC00] =	vst v52;
	v57 =	vmul.f32 v43, v12;
	v56 =	vpop (erf)  }
0x198: {  	[tilespmem:s23+$0xFFFFF400] =	vst v54;
	v55 =	vmul.f32 v46, v19;
	v58 =	vpop (erf)  }
0x199: {  	s20 =	sadd.s32 $0x1, s20;
	[tilespmem:s23+$0x0] =	vst v57;
	v59 =	vmul.f32 v56, v14;
	v60 =	vpop (erf)  }
0x19a: {  	p0 =	sne.s32 s20, $0x40;
	[tilespmem:s23+$0xFFFFFC00] =	vst v55;
	v3 =	vmul.f32 v60, v63  }
.Ltmp5:
0x19b: {  	[tilespmem:s23+$0xFFFFF000] =	vst v59;
	v61 =	vpop (erf);
	v63 =	vmul.f32 v58, v5;
	(pc) =	sbr.rel @p0 .LBB2_11-.Ltmp5, $4  }
0x19c: {  	v0 =	vmul.f32 v61, v0;
	[tilespmem:s23+$0x800] =	vst v3;
	v62 =	vpop (erf)  }
0x19d: {  	[tilespmem:s23+$0xFFFFF800] =	vst v63;
	v1 =	vmul.f32 v62, v11  }
0x19e: {  	[tilespmem:s23+$0x400] =	vst v0  }
0x19f: {  	s21 =	sadd.s32 $0x10, s21;
	s22 =	sadd.s32 $0x10, s22;
	[tilespmem:s23+$0xC00] =	vst v1  }
0x1a0: {  	s18 =	sadd.s32 $0x1, s18  }
0x1a1: {  	p0 =	sne.s32 s18, $0x7  }
.Ltmp6:
0x1a2: {  	s0 =	sadd.s32 s8, s19;
	(pc) =	sbr.rel @p0 .LBB2_2-.Ltmp6, $4  }
0x1a3: {  	[hbm4b:s0+s2] =	stream.linear.scatter [tilespmem:s16], [sflag:$0x1], $0x8000, $0x38;
	[tilespmem:$0x13000] =	vst v63  }
0x1a4: {  	_ =	swait.ge [sflag:s11], $0x8000  }
0x1a5: {  	[sflag:s11] =	ssyncset.done $0x0  }
0x1a6: {  	[sflag:s11] =	ssyncadd.s32 $0xFFFF8000  }
0x1a7: {  	s17 =	sadd.s32 $0x1, s17  }
0x1a8: {  	p0 =	sne.s32 s17, s10  }
.Ltmp7:
0x1a9: {  	_ = 	snop;
	(pc) =	sbr.rel @p0 .LBB2_1-.Ltmp7, $1  }
0x1aa: {  	_ =	sdelay $0x3  }
0x1ab: {  	_ =	sfence.sel $0x180000  }
0x1ac: {  	[bflag:$0x0] =	sbarrier.arrive $0xFFFF  }
0x1ad: {  	_ =	strace $0x90000047  }
0x1ae: {  	[bflag:$0x2] =	sbarrier.arrive $0xFFFF  }
0x1af: {  	p0 =	sne.s32 s3, $0x0;
	s0 =	rddreg [dreg:$0x1]  }
0x1b0: {  	s0 =	sadd.s32 @!p0 $0x100000, s0  }
0x1b1: {  	[sflag:s0] =	ssyncadd.tile.s32 @!p0 $0x1;
	_ =	shalt  }
.Lfunc_end2:
_tile_overlayer_lowered:
.L_overlay_start_2:
0x1b2: {  	(tag) =	ssettag $0x2  }
0x1b3: {  	s0 =	rddreg [dreg:$0x0];
	s2 =	stileid.u32  }
0x1b4: {  	s1 =	rddreg [dreg:$0x1];
	p0 =	sne.s32 s2, $0x0  }
0x1b5: {  	s3 =	rddreg [dreg:$0x2];
	[bflag:$0x3] =	sbarrier.arrive $0xFFFF;
	s2 =	simm.s32 @!p0 $0x1C01  }
0x1b6: {  	[timem:s3], [sflag:s2] =	dma.local @!p0 [hbm:s0], s1  }
0x1b7: {  	s0 =	simm.s32 @!p0 $0x1  }
0x1b8: {  	_ =	swait.ge @!p0 [sflag:s0], s1  }
0x1b9: {  	s1 =	ssub.s32 @!p0 $0x0, s1;
	[sflag:s0] =	ssyncset.done @!p0 $0x0  }
0x1ba: {  	[sflag:s0] =	ssyncadd.s32 @!p0 s1  }
0x1bb: {  	[bflag:$0x3] =	sbarrier.arrive $0xFFFF  }
0x1bc: {  	_ =	shalt  }

</sc_bundles>
